<compile_context>
chip_gen: v7x
topology: tpu7x:2x2x1
jax: 0.10.2.dev20260603
libtpu: 0.0.44.dev20260713+nightly
codegen_flags: <defaults>
</compile_context>

<pallas_src>
import functools

import jax
import jax.numpy as jnp
from jax import lax
from jax.experimental import pallas as pl
from jax.experimental.pallas import tpu as pltpu
from jax.experimental.pallas import tpu_sc as plsc

_INPUT_DIM = 3
_PARTITION_NUM = 100
_OUTPUT_DIM = 16
_B = 16384

_info = plsc.get_sparse_core_info()
_NC, _NS, _L = _info.num_cores, _info.num_subcores, _info.num_lanes
_NW = _NC * _NS
_B_PER_W = _B // _NW
_CHUNK = 128
_NCHUNK = _B_PER_W // _CHUNK


def _body(inputs_hbm, table_hbm, out_hbm, chunk_v, i0, i1, i2, i3,
          r0, r1, r2, r3, sem):
    idx_bufs = (i0, i1, i2, i3)
    row_bufs = (r0, r1, r2, r3)
    wid = lax.axis_index("s") * _NC + lax.axis_index("c")
    base = wid * _B_PER_W

    pltpu.sync_copy(
        inputs_hbm.at[pl.ds(base * _INPUT_DIM, _B_PER_W * _INPUT_DIM)],
        chunk_v)

    lane3 = lax.iota(jnp.int32, _L) * _INPUT_DIM
    copies = []
    for j in range(_NCHUNK):
        for t in range(_CHUNK // _L):
            g = j * _CHUNK + t * _L
            digits = []
            for d in range(_INPUT_DIM):
                x = plsc.load_gather(
                    chunk_v, [lane3 + (g * _INPUT_DIM + d)])
                x = jnp.maximum(x, 0.0)
                s = (x * jnp.float32(_PARTITION_NUM)).astype(jnp.int32)
                digits.append(jnp.minimum(s, _PARTITION_NUM - 1))
            idx = digits[0] + digits[1] * _PARTITION_NUM \
                + digits[2] * (_PARTITION_NUM * _PARTITION_NUM)
            idx_bufs[j][pl.ds(t * _L, _L)] = idx
        copies.append(pltpu.async_copy(table_hbm.at[idx_bufs[j]],
                                       row_bufs[j], sem))

    for j in range(_NCHUNK):
        copies[j].wait()
        pltpu.sync_copy(row_bufs[j],
                        out_hbm.at[pl.ds(base + j * _CHUNK, _CHUNK)])


@jax.jit
def kernel(inputs, table):
    mesh = plsc.VectorSubcoreMesh(core_axis_name="c", subcore_axis_name="s")
    fn = pl.kernel(
        _body,
        mesh=mesh,
        compiler_params=pltpu.CompilerParams(use_tc_tiling_on_sc=False,
                                             needs_layout_passes=False),
        out_type=jax.ShapeDtypeStruct((_B, _OUTPUT_DIM), jnp.float32),
        scratch_types=[
            pltpu.VMEM((_B_PER_W * _INPUT_DIM,), jnp.float32),
            pltpu.VMEM((_CHUNK,), jnp.int32),
            pltpu.VMEM((_CHUNK,), jnp.int32),
            pltpu.VMEM((_CHUNK,), jnp.int32),
            pltpu.VMEM((_CHUNK,), jnp.int32),
            pltpu.VMEM((_CHUNK, _OUTPUT_DIM), jnp.float32),
            pltpu.VMEM((_CHUNK, _OUTPUT_DIM), jnp.float32),
            pltpu.VMEM((_CHUNK, _OUTPUT_DIM), jnp.float32),
            pltpu.VMEM((_CHUNK, _OUTPUT_DIM), jnp.float32),
            pltpu.SemaphoreType.DMA,
        ],
    )
    return fn(inputs.reshape(-1), table)

# --- scband reference (transcript-rebuilt; emitter-appended) ---
"""Pipeline reference for scband-lookup-table-model-46462956208146 (READ-ONLY COPY).

The authoritative reference and input builder live on the scoring server;
editing this copy changes nothing except your own understanding.
"""

import jax, jax.numpy as jnp
import numpy as np

INPUT_DIM = 3
PARTITION_NUM = 100
OUTPUT_DIM = 16
DEFAULT_VAL = 0.0
VOCAB = PARTITION_NUM ** INPUT_DIM + 1


def setup_inputs(seed: int = 0) -> dict:
    key = jax.random.key(seed)
    k1, k2 = jax.random.split(key)
    inputs = jax.random.uniform(k1, (16384, INPUT_DIM), dtype=jnp.float32)
    # Embedding table, RandomUniform init in [-0.05, 0.05], last row set to default_val
    table = jax.random.uniform(k2, (VOCAB, OUTPUT_DIM), minval=-0.05, maxval=0.05, dtype=jnp.float32)
    table = table.at[-1].set(DEFAULT_VAL)
    return {"inputs": inputs, "table": table}


def reference(inputs, table):
    x = jnp.maximum(0.0, inputs)
    scaled = jnp.floor(x * PARTITION_NUM).astype(jnp.int32)
    bounded = jnp.minimum(scaled, PARTITION_NUM - 1)
    powers = jnp.power(PARTITION_NUM, jnp.arange(INPUT_DIM)).astype(jnp.int32)
    indices = jnp.sum(bounded * powers, axis=1)
    outputs = jnp.take(table, indices, axis=0)
    return outputs

if __name__ == "__main__":
    import jax
    _d = setup_inputs()
    print(jax.jit(kernel)(*tuple(_d.values())))

</pallas_src>

<mosaic_0001>
#map = affine_map<(d0, d1) -> (0)>
#map1 = affine_map<(d0, d1) -> (0, 0)>
module attributes {stable_mosaic.version = 14 : i64} {
  func.func @_body(%arg0: i32, %arg1: i32, %arg2: memref<49152xf32, #tpu.memory_space<hbm>>, %arg3: memref<1000001x16xf32, #tpu.memory_space<hbm>>, %arg4: memref<16384x16xf32, #tpu.memory_space<hbm>>, %arg5: memref<1536xf32, #tpu.memory_space<vmem>>, %arg6: memref<128xi32, #tpu.memory_space<vmem>>, %arg7: memref<128xi32, #tpu.memory_space<vmem>>, %arg8: memref<128xi32, #tpu.memory_space<vmem>>, %arg9: memref<128xi32, #tpu.memory_space<vmem>>, %arg10: memref<128x16xf32, #tpu.memory_space<vmem>>, %arg11: memref<128x16xf32, #tpu.memory_space<vmem>>, %arg12: memref<128x16xf32, #tpu.memory_space<vmem>>, %arg13: memref<128x16xf32, #tpu.memory_space<vmem>>, %arg14: memref<!tpu.dma_semaphore, #tpu.memory_space<semaphore_mem>>) attributes {dimension_semantics = [#tpu.dimension_semantics<core_parallel>, #tpu.dimension_semantics<subcore_parallel>], iteration_bounds = array<i64: 2, 16>, scalar_prefetch = 0 : i64, scratch_operands = 10 : i64, tpu.core_type = #tpu.core_type<sc_vector_subcore>, window_params = [{transform_indices = #map}, {transform_indices = #map1}, {transform_indices = #map1}]} {
    %mul3A = arith.constant 2 : i32
    %mul3A_0 = arith.muli %arg1, %mul3A : i32
    %add3A = arith.addi %mul3A_0, %arg0 : i32
    %mul3A_1 = arith.constant 512 : i32
    %mul3A_2 = arith.muli %add3A, %mul3A_1 : i32
    %mul3A_3 = arith.constant 3 : i32
    %mul3A_4 = arith.muli %mul3A_2, %mul3A_3 : i32
    "tpu.region"() ({
      %run_scoped3A = tpu.sem_alloc : memref<!tpu.dma_semaphore, #tpu.memory_space<semaphore_mem>>
      %dma_start3A_1697 = tpu.memref_slice %arg2[%mul3A_4] : memref<49152xf32, #tpu.memory_space<hbm>> -> memref<1536xf32, #tpu.memory_space<hbm>>
      %dma_start3A_1698 = tpu.memref_slice %arg2[%mul3A_4] : memref<49152xf32, #tpu.memory_space<hbm>> -> memref<1536xf32, #tpu.memory_space<hbm>>
      tpu.enqueue_dma source(%dma_start3A_1698 : memref<1536xf32, #tpu.memory_space<hbm>>) target(%arg5 : memref<1536xf32, #tpu.memory_space<vmem>>) target_semaphore(%run_scoped3A : memref<!tpu.dma_semaphore, #tpu.memory_space<semaphore_mem>>)
      %dma_wait3A_1699 = tpu.memref_slice %arg2[%mul3A_4] : memref<49152xf32, #tpu.memory_space<hbm>> -> memref<1536xf32, #tpu.memory_space<hbm>>
      %dma_wait3A_1700 = tpu.memref_slice %arg2[%mul3A_4] : memref<49152xf32, #tpu.memory_space<hbm>> -> memref<1536xf32, #tpu.memory_space<hbm>>
      tpu.wait_dma2 semaphore(%run_scoped3A : memref<!tpu.dma_semaphore, #tpu.memory_space<semaphore_mem>>) src(%dma_wait3A_1700 : memref<1536xf32, #tpu.memory_space<hbm>>) dst(%arg5 : memref<1536xf32, #tpu.memory_space<vmem>>)
      tpu.yield
    }) : () -> ()
    %iota3A = tpu.iota {dimensions = array<i32: 0>} : vector<16xi32>
    %mul3A_5 = arith.constant 3 : i32
    %mul3A_6 = vector.broadcast %mul3A_5 : i32 to vector<16xi32>
    %mul3A_7 = arith.muli %iota3A, %mul3A_6 : vector<16xi32>
    %add3A_8 = arith.constant 0 : i32
    %add3A_9 = vector.broadcast %add3A_8 : i32 to vector<16xi32>
    %add3A_10 = arith.addi %mul3A_7, %add3A_9 : vector<16xi32>
    %gather3A = tpu.vector_load_idx %arg5[%add3A_10] : memref<1536xf32, #tpu.memory_space<vmem>>[vector<16xi32>], vector<16xf32>,
    %max3A = arith.constant 0.000000e+00 : f32
    %max3A_11 = vector.broadcast %max3A : f32 to vector<16xf32>
    %max3A_12 = arith.maximumf %gather3A, %max3A_11 : vector<16xf32>
    %mul3A_13 = arith.constant 1.000000e+02 : f32
    %mul3A_14 = vector.broadcast %mul3A_13 : f32 to vector<16xf32>
    %mul3A_15 = arith.mulf %max3A_12, %mul3A_14 : vector<16xf32>
    %convert_element_type3A = arith.fptosi %mul3A_15 : vector<16xf32> to vector<16xi32>
    %min3A = arith.constant 99 : i32
    %min3A_16 = vector.broadcast %min3A : i32 to vector<16xi32>
    %min3A_17 = arith.minsi %convert_element_type3A, %min3A_16 : vector<16xi32>
    %add3A_18 = arith.constant 1 : i32
    %add3A_19 = vector.broadcast %add3A_18 : i32 to vector<16xi32>
    %add3A_20 = arith.addi %mul3A_7, %add3A_19 : vector<16xi32>
    %gather3A_21 = tpu.vector_load_idx %arg5[%add3A_20] : memref<1536xf32, #tpu.memory_space<vmem>>[vector<16xi32>], vector<16xf32>,
    %max3A_22 = arith.constant 0.000000e+00 : f32
    %max3A_23 = vector.broadcast %max3A_22 : f32 to vector<16xf32>
    %max3A_24 = arith.maximumf %gather3A_21, %max3A_23 : vector<16xf32>
    %mul3A_25 = arith.constant 1.000000e+02 : f32
    %mul3A_26 = vector.broadcast %mul3A_25 : f32 to vector<16xf32>
    %mul3A_27 = arith.mulf %max3A_24, %mul3A_26 : vector<16xf32>
    %convert_element_type3A_28 = arith.fptosi %mul3A_27 : vector<16xf32> to vector<16xi32>
    %min3A_29 = arith.constant 99 : i32
    %min3A_30 = vector.broadcast %min3A_29 : i32 to vector<16xi32>
    %min3A_31 = arith.minsi %convert_element_type3A_28, %min3A_30 : vector<16xi32>
    %add3A_32 = arith.constant 2 : i32
    %add3A_33 = vector.broadcast %add3A_32 : i32 to vector<16xi32>
    %add3A_34 = arith.addi %mul3A_7, %add3A_33 : vector<16xi32>
    %gather3A_35 = tpu.vector_load_idx %arg5[%add3A_34] : memref<1536xf32, #tpu.memory_space<vmem>>[vector<16xi32>], vector<16xf32>,
    %max3A_36 = arith.constant 0.000000e+00 : f32
    %max3A_37 = vector.broadcast %max3A_36 : f32 to vector<16xf32>
    %max3A_38 = arith.maximumf %gather3A_35, %max3A_37 : vector<16xf32>
    %mul3A_39 = arith.constant 1.000000e+02 : f32
    %mul3A_40 = vector.broadcast %mul3A_39 : f32 to vector<16xf32>
    %mul3A_41 = arith.mulf %max3A_38, %mul3A_40 : vector<16xf32>
    %convert_element_type3A_42 = arith.fptosi %mul3A_41 : vector<16xf32> to vector<16xi32>
    %min3A_43 = arith.constant 99 : i32
    %min3A_44 = vector.broadcast %min3A_43 : i32 to vector<16xi32>
    %min3A_45 = arith.minsi %convert_element_type3A_42, %min3A_44 : vector<16xi32>
    %mul3A_46 = arith.constant 100 : i32
    %mul3A_47 = vector.broadcast %mul3A_46 : i32 to vector<16xi32>
    %mul3A_48 = arith.muli %min3A_31, %mul3A_47 : vector<16xi32>
    %add3A_49 = arith.addi %min3A_17, %mul3A_48 : vector<16xi32>
    %mul3A_50 = arith.constant 10000 : i32
    %mul3A_51 = vector.broadcast %mul3A_50 : i32 to vector<16xi32>
    %mul3A_52 = arith.muli %min3A_45, %mul3A_51 : vector<16xi32>
    %add3A_53 = arith.addi %add3A_49, %mul3A_52 : vector<16xi32>
    %swap3A = arith.constant 0 : index
    %swap3A_54 = tpu.vector_load %arg6[%swap3A] {strides = array<i32>} : memref<128xi32, #tpu.memory_space<vmem>>, vector<16xi32>,
    tpu.vector_store %arg6[%swap3A], %add3A_53 {strides = array<i32>} : memref<128xi32, #tpu.memory_space<vmem>>, vector<16xi32>,
    %add3A_55 = arith.constant 48 : i32
    %add3A_56 = vector.broadcast %add3A_55 : i32 to vector<16xi32>
    %add3A_57 = arith.addi %mul3A_7, %add3A_56 : vector<16xi32>
    %gather3A_58 = tpu.vector_load_idx %arg5[%add3A_57] : memref<1536xf32, #tpu.memory_space<vmem>>[vector<16xi32>], vector<16xf32>,
    %max3A_59 = arith.constant 0.000000e+00 : f32
    %max3A_60 = vector.broadcast %max3A_59 : f32 to vector<16xf32>
    %max3A_61 = arith.maximumf %gather3A_58, %max3A_60 : vector<16xf32>
    %mul3A_62 = arith.constant 1.000000e+02 : f32
    %mul3A_63 = vector.broadcast %mul3A_62 : f32 to vector<16xf32>
    %mul3A_64 = arith.mulf %max3A_61, %mul3A_63 : vector<16xf32>
    %convert_element_type3A_65 = arith.fptosi %mul3A_64 : vector<16xf32> to vector<16xi32>
    %min3A_66 = arith.constant 99 : i32
    %min3A_67 = vector.broadcast %min3A_66 : i32 to vector<16xi32>
    %min3A_68 = arith.minsi %convert_element_type3A_65, %min3A_67 : vector<16xi32>
    %add3A_69 = arith.constant 49 : i32
    %add3A_70 = vector.broadcast %add3A_69 : i32 to vector<16xi32>
    %add3A_71 = arith.addi %mul3A_7, %add3A_70 : vector<16xi32>
    %gather3A_72 = tpu.vector_load_idx %arg5[%add3A_71] : memref<1536xf32, #tpu.memory_space<vmem>>[vector<16xi32>], vector<16xf32>,
    %max3A_73 = arith.constant 0.000000e+00 : f32
    %max3A_74 = vector.broadcast %max3A_73 : f32 to vector<16xf32>
    %max3A_75 = arith.maximumf %gather3A_72, %max3A_74 : vector<16xf32>
    %mul3A_76 = arith.constant 1.000000e+02 : f32
    %mul3A_77 = vector.broadcast %mul3A_76 : f32 to vector<16xf32>
    %mul3A_78 = arith.mulf %max3A_75, %mul3A_77 : vector<16xf32>
    %convert_element_type3A_79 = arith.fptosi %mul3A_78 : vector<16xf32> to vector<16xi32>
    %min3A_80 = arith.constant 99 : i32
    %min3A_81 = vector.broadcast %min3A_80 : i32 to vector<16xi32>
    %min3A_82 = arith.minsi %convert_element_type3A_79, %min3A_81 : vector<16xi32>
    %add3A_83 = arith.constant 50 : i32
    %add3A_84 = vector.broadcast %add3A_83 : i32 to vector<16xi32>
    %add3A_85 = arith.addi %mul3A_7, %add3A_84 : vector<16xi32>
    %gather3A_86 = tpu.vector_load_idx %arg5[%add3A_85] : memref<1536xf32, #tpu.memory_space<vmem>>[vector<16xi32>], vector<16xf32>,
    %max3A_87 = arith.constant 0.000000e+00 : f32
    %max3A_88 = vector.broadcast %max3A_87 : f32 to vector<16xf32>
    %max3A_89 = arith.maximumf %gather3A_86, %max3A_88 : vector<16xf32>
    %mul3A_90 = arith.constant 1.000000e+02 : f32
    %mul3A_91 = vector.broadcast %mul3A_90 : f32 to vector<16xf32>
    %mul3A_92 = arith.mulf %max3A_89, %mul3A_91 : vector<16xf32>
    %convert_element_type3A_93 = arith.fptosi %mul3A_92 : vector<16xf32> to vector<16xi32>
    %min3A_94 = arith.constant 99 : i32
    %min3A_95 = vector.broadcast %min3A_94 : i32 to vector<16xi32>
    %min3A_96 = arith.minsi %convert_element_type3A_93, %min3A_95 : vector<16xi32>
    %mul3A_97 = arith.constant 100 : i32
    %mul3A_98 = vector.broadcast %mul3A_97 : i32 to vector<16xi32>
    %mul3A_99 = arith.muli %min3A_82, %mul3A_98 : vector<16xi32>
    %add3A_100 = arith.addi %min3A_68, %mul3A_99 : vector<16xi32>
    %mul3A_101 = arith.constant 10000 : i32
    %mul3A_102 = vector.broadcast %mul3A_101 : i32 to vector<16xi32>
    %mul3A_103 = arith.muli %min3A_96, %mul3A_102 : vector<16xi32>
    %add3A_104 = arith.addi %add3A_100, %mul3A_103 : vector<16xi32>
    %swap3A_105 = arith.constant 16 : index
    %swap3A_106 = tpu.vector_load %arg6[%swap3A_105] {strides = array<i32>} : memref<128xi32, #tpu.memory_space<vmem>>, vector<16xi32>,
    tpu.vector_store %arg6[%swap3A_105], %add3A_104 {strides = array<i32>} : memref<128xi32, #tpu.memory_space<vmem>>, vector<16xi32>,
    %add3A_107 = arith.constant 96 : i32
    %add3A_108 = vector.broadcast %add3A_107 : i32 to vector<16xi32>
    %add3A_109 = arith.addi %mul3A_7, %add3A_108 : vector<16xi32>
    %gather3A_110 = tpu.vector_load_idx %arg5[%add3A_109] : memref<1536xf32, #tpu.memory_space<vmem>>[vector<16xi32>], vector<16xf32>,
    %max3A_111 = arith.constant 0.000000e+00 : f32
    %max3A_112 = vector.broadcast %max3A_111 : f32 to vector<16xf32>
    %max3A_113 = arith.maximumf %gather3A_110, %max3A_112 : vector<16xf32>
    %mul3A_114 = arith.constant 1.000000e+02 : f32
    %mul3A_115 = vector.broadcast %mul3A_114 : f32 to vector<16xf32>
    %mul3A_116 = arith.mulf %max3A_113, %mul3A_115 : vector<16xf32>
    %convert_element_type3A_117 = arith.fptosi %mul3A_116 : vector<16xf32> to vector<16xi32>
    %min3A_118 = arith.constant 99 : i32
    %min3A_119 = vector.broadcast %min3A_118 : i32 to vector<16xi32>
    %min3A_120 = arith.minsi %convert_element_type3A_117, %min3A_119 : vector<16xi32>
    %add3A_121 = arith.constant 97 : i32
    %add3A_122 = vector.broadcast %add3A_121 : i32 to vector<16xi32>
    %add3A_123 = arith.addi %mul3A_7, %add3A_122 : vector<16xi32>
    %gather3A_124 = tpu.vector_load_idx %arg5[%add3A_123] : memref<1536xf32, #tpu.memory_space<vmem>>[vector<16xi32>], vector<16xf32>,
    %max3A_125 = arith.constant 0.000000e+00 : f32
    %max3A_126 = vector.broadcast %max3A_125 : f32 to vector<16xf32>
    %max3A_127 = arith.maximumf %gather3A_124, %max3A_126 : vector<16xf32>
    %mul3A_128 = arith.constant 1.000000e+02 : f32
    %mul3A_129 = vector.broadcast %mul3A_128 : f32 to vector<16xf32>
    %mul3A_130 = arith.mulf %max3A_127, %mul3A_129 : vector<16xf32>
    %convert_element_type3A_131 = arith.fptosi %mul3A_130 : vector<16xf32> to vector<16xi32>
    %min3A_132 = arith.constant 99 : i32
    %min3A_133 = vector.broadcast %min3A_132 : i32 to vector<16xi32>
    %min3A_134 = arith.minsi %convert_element_type3A_131, %min3A_133 : vector<16xi32>
    %add3A_135 = arith.constant 98 : i32
    %add3A_136 = vector.broadcast %add3A_135 : i32 to vector<16xi32>
    %add3A_137 = arith.addi %mul3A_7, %add3A_136 : vector<16xi32>
    %gather3A_138 = tpu.vector_load_idx %arg5[%add3A_137] : memref<1536xf32, #tpu.memory_space<vmem>>[vector<16xi32>], vector<16xf32>,
    %max3A_139 = arith.constant 0.000000e+00 : f32
    %max3A_140 = vector.broadcast %max3A_139 : f32 to vector<16xf32>
    %max3A_141 = arith.maximumf %gather3A_138, %max3A_140 : vector<16xf32>
    %mul3A_142 = arith.constant 1.000000e+02 : f32
    %mul3A_143 = vector.broadcast %mul3A_142 : f32 to vector<16xf32>
    %mul3A_144 = arith.mulf %max3A_141, %mul3A_143 : vector<16xf32>
    %convert_element_type3A_145 = arith.fptosi %mul3A_144 : vector<16xf32> to vector<16xi32>
    %min3A_146 = arith.constant 99 : i32
    %min3A_147 = vector.broadcast %min3A_146 : i32 to vector<16xi32>
    %min3A_148 = arith.minsi %convert_element_type3A_145, %min3A_147 : vector<16xi32>
    %mul3A_149 = arith.constant 100 : i32
    %mul3A_150 = vector.broadcast %mul3A_149 : i32 to vector<16xi32>
    %mul3A_151 = arith.muli %min3A_134, %mul3A_150 : vector<16xi32>
    %add3A_152 = arith.addi %min3A_120, %mul3A_151 : vector<16xi32>
    %mul3A_153 = arith.constant 10000 : i32
    %mul3A_154 = vector.broadcast %mul3A_153 : i32 to vector<16xi32>
    %mul3A_155 = arith.muli %min3A_148, %mul3A_154 : vector<16xi32>
    %add3A_156 = arith.addi %add3A_152, %mul3A_155 : vector<16xi32>
    %swap3A_157 = arith.constant 32 : index
    %swap3A_158 = tpu.vector_load %arg6[%swap3A_157] {strides = array<i32>} : memref<128xi32, #tpu.memory_space<vmem>>, vector<16xi32>,
    tpu.vector_store %arg6[%swap3A_157], %add3A_156 {strides = array<i32>} : memref<128xi32, #tpu.memory_space<vmem>>, vector<16xi32>,
    %add3A_159 = arith.constant 144 : i32
    %add3A_160 = vector.broadcast %add3A_159 : i32 to vector<16xi32>
    %add3A_161 = arith.addi %mul3A_7, %add3A_160 : vector<16xi32>
    %gather3A_162 = tpu.vector_load_idx %arg5[%add3A_161] : memref<1536xf32, #tpu.memory_space<vmem>>[vector<16xi32>], vector<16xf32>,
    %max3A_163 = arith.constant 0.000000e+00 : f32
    %max3A_164 = vector.broadcast %max3A_163 : f32 to vector<16xf32>
    %max3A_165 = arith.maximumf %gather3A_162, %max3A_164 : vector<16xf32>
    %mul3A_166 = arith.constant 1.000000e+02 : f32
    %mul3A_167 = vector.broadcast %mul3A_166 : f32 to vector<16xf32>
    %mul3A_168 = arith.mulf %max3A_165, %mul3A_167 : vector<16xf32>
    %convert_element_type3A_169 = arith.fptosi %mul3A_168 : vector<16xf32> to vector<16xi32>
    %min3A_170 = arith.constant 99 : i32
    %min3A_171 = vector.broadcast %min3A_170 : i32 to vector<16xi32>
    %min3A_172 = arith.minsi %convert_element_type3A_169, %min3A_171 : vector<16xi32>
    %add3A_173 = arith.constant 145 : i32
    %add3A_174 = vector.broadcast %add3A_173 : i32 to vector<16xi32>
    %add3A_175 = arith.addi %mul3A_7, %add3A_174 : vector<16xi32>
    %gather3A_176 = tpu.vector_load_idx %arg5[%add3A_175] : memref<1536xf32, #tpu.memory_space<vmem>>[vector<16xi32>], vector<16xf32>,
    %max3A_177 = arith.constant 0.000000e+00 : f32
    %max3A_178 = vector.broadcast %max3A_177 : f32 to vector<16xf32>
    %max3A_179 = arith.maximumf %gather3A_176, %max3A_178 : vector<16xf32>
    %mul3A_180 = arith.constant 1.000000e+02 : f32
    %mul3A_181 = vector.broadcast %mul3A_180 : f32 to vector<16xf32>
    %mul3A_182 = arith.mulf %max3A_179, %mul3A_181 : vector<16xf32>
    %convert_element_type3A_183 = arith.fptosi %mul3A_182 : vector<16xf32> to vector<16xi32>
    %min3A_184 = arith.constant 99 : i32
    %min3A_185 = vector.broadcast %min3A_184 : i32 to vector<16xi32>
    %min3A_186 = arith.minsi %convert_element_type3A_183, %min3A_185 : vector<16xi32>
    %add3A_187 = arith.constant 146 : i32
    %add3A_188 = vector.broadcast %add3A_187 : i32 to vector<16xi32>
    %add3A_189 = arith.addi %mul3A_7, %add3A_188 : vector<16xi32>
    %gather3A_190 = tpu.vector_load_idx %arg5[%add3A_189] : memref<1536xf32, #tpu.memory_space<vmem>>[vector<16xi32>], vector<16xf32>,
    %max3A_191 = arith.constant 0.000000e+00 : f32
    %max3A_192 = vector.broadcast %max3A_191 : f32 to vector<16xf32>
    %max3A_193 = arith.maximumf %gather3A_190, %max3A_192 : vector<16xf32>
    %mul3A_194 = arith.constant 1.000000e+02 : f32
    %mul3A_195 = vector.broadcast %mul3A_194 : f32 to vector<16xf32>
    %mul3A_196 = arith.mulf %max3A_193, %mul3A_195 : vector<16xf32>
    %convert_element_type3A_197 = arith.fptosi %mul3A_196 : vector<16xf32> to vector<16xi32>
    %min3A_198 = arith.constant 99 : i32
    %min3A_199 = vector.broadcast %min3A_198 : i32 to vector<16xi32>
    %min3A_200 = arith.minsi %convert_element_type3A_197, %min3A_199 : vector<16xi32>
    %mul3A_201 = arith.constant 100 : i32
    %mul3A_202 = vector.broadcast %mul3A_201 : i32 to vector<16xi32>
    %mul3A_203 = arith.muli %min3A_186, %mul3A_202 : vector<16xi32>
    %add3A_204 = arith.addi %min3A_172, %mul3A_203 : vector<16xi32>
    %mul3A_205 = arith.constant 10000 : i32
    %mul3A_206 = vector.broadcast %mul3A_205 : i32 to vector<16xi32>
    %mul3A_207 = arith.muli %min3A_200, %mul3A_206 : vector<16xi32>
    %add3A_208 = arith.addi %add3A_204, %mul3A_207 : vector<16xi32>
    %swap3A_209 = arith.constant 48 : index
    %swap3A_210 = tpu.vector_load %arg6[%swap3A_209] {strides = array<i32>} : memref<128xi32, #tpu.memory_space<vmem>>, vector<16xi32>,
    tpu.vector_store %arg6[%swap3A_209], %add3A_208 {strides = array<i32>} : memref<128xi32, #tpu.memory_space<vmem>>, vector<16xi32>,
    %add3A_211 = arith.constant 192 : i32
    %add3A_212 = vector.broadcast %add3A_211 : i32 to vector<16xi32>
    %add3A_213 = arith.addi %mul3A_7, %add3A_212 : vector<16xi32>
    %gather3A_214 = tpu.vector_load_idx %arg5[%add3A_213] : memref<1536xf32, #tpu.memory_space<vmem>>[vector<16xi32>], vector<16xf32>,
    %max3A_215 = arith.constant 0.000000e+00 : f32
    %max3A_216 = vector.broadcast %max3A_215 : f32 to vector<16xf32>
    %max3A_217 = arith.maximumf %gather3A_214, %max3A_216 : vector<16xf32>
    %mul3A_218 = arith.constant 1.000000e+02 : f32
    %mul3A_219 = vector.broadcast %mul3A_218 : f32 to vector<16xf32>
    %mul3A_220 = arith.mulf %max3A_217, %mul3A_219 : vector<16xf32>
    %convert_element_type3A_221 = arith.fptosi %mul3A_220 : vector<16xf32> to vector<16xi32>
    %min3A_222 = arith.constant 99 : i32
    %min3A_223 = vector.broadcast %min3A_222 : i32 to vector<16xi32>
    %min3A_224 = arith.minsi %convert_element_type3A_221, %min3A_223 : vector<16xi32>
    %add3A_225 = arith.constant 193 : i32
    %add3A_226 = vector.broadcast %add3A_225 : i32 to vector<16xi32>
    %add3A_227 = arith.addi %mul3A_7, %add3A_226 : vector<16xi32>
    %gather3A_228 = tpu.vector_load_idx %arg5[%add3A_227] : memref<1536xf32, #tpu.memory_space<vmem>>[vector<16xi32>], vector<16xf32>,
    %max3A_229 = arith.constant 0.000000e+00 : f32
    %max3A_230 = vector.broadcast %max3A_229 : f32 to vector<16xf32>
    %max3A_231 = arith.maximumf %gather3A_228, %max3A_230 : vector<16xf32>
    %mul3A_232 = arith.constant 1.000000e+02 : f32
    %mul3A_233 = vector.broadcast %mul3A_232 : f32 to vector<16xf32>
    %mul3A_234 = arith.mulf %max3A_231, %mul3A_233 : vector<16xf32>
    %convert_element_type3A_235 = arith.fptosi %mul3A_234 : vector<16xf32> to vector<16xi32>
    %min3A_236 = arith.constant 99 : i32
    %min3A_237 = vector.broadcast %min3A_236 : i32 to vector<16xi32>
    %min3A_238 = arith.minsi %convert_element_type3A_235, %min3A_237 : vector<16xi32>
    %add3A_239 = arith.constant 194 : i32
    %add3A_240 = vector.broadcast %add3A_239 : i32 to vector<16xi32>
    %add3A_241 = arith.addi %mul3A_7, %add3A_240 : vector<16xi32>
    %gather3A_242 = tpu.vector_load_idx %arg5[%add3A_241] : memref<1536xf32, #tpu.memory_space<vmem>>[vector<16xi32>], vector<16xf32>,
    %max3A_243 = arith.constant 0.000000e+00 : f32
    %max3A_244 = vector.broadcast %max3A_243 : f32 to vector<16xf32>
    %max3A_245 = arith.maximumf %gather3A_242, %max3A_244 : vector<16xf32>
    %mul3A_246 = arith.constant 1.000000e+02 : f32
    %mul3A_247 = vector.broadcast %mul3A_246 : f32 to vector<16xf32>
    %mul3A_248 = arith.mulf %max3A_245, %mul3A_247 : vector<16xf32>
    %convert_element_type3A_249 = arith.fptosi %mul3A_248 : vector<16xf32> to vector<16xi32>
    %min3A_250 = arith.constant 99 : i32
    %min3A_251 = vector.broadcast %min3A_250 : i32 to vector<16xi32>
    %min3A_252 = arith.minsi %convert_element_type3A_249, %min3A_251 : vector<16xi32>
    %mul3A_253 = arith.constant 100 : i32
    %mul3A_254 = vector.broadcast %mul3A_253 : i32 to vector<16xi32>
    %mul3A_255 = arith.muli %min3A_238, %mul3A_254 : vector<16xi32>
    %add3A_256 = arith.addi %min3A_224, %mul3A_255 : vector<16xi32>
    %mul3A_257 = arith.constant 10000 : i32
    %mul3A_258 = vector.broadcast %mul3A_257 : i32 to vector<16xi32>
    %mul3A_259 = arith.muli %min3A_252, %mul3A_258 : vector<16xi32>
    %add3A_260 = arith.addi %add3A_256, %mul3A_259 : vector<16xi32>
    %swap3A_261 = arith.constant 64 : index
    %swap3A_262 = tpu.vector_load %arg6[%swap3A_261] {strides = array<i32>} : memref<128xi32, #tpu.memory_space<vmem>>, vector<16xi32>,
    tpu.vector_store %arg6[%swap3A_261], %add3A_260 {strides = array<i32>} : memref<128xi32, #tpu.memory_space<vmem>>, vector<16xi32>,
    %add3A_263 = arith.constant 240 : i32
    %add3A_264 = vector.broadcast %add3A_263 : i32 to vector<16xi32>
    %add3A_265 = arith.addi %mul3A_7, %add3A_264 : vector<16xi32>
    %gather3A_266 = tpu.vector_load_idx %arg5[%add3A_265] : memref<1536xf32, #tpu.memory_space<vmem>>[vector<16xi32>], vector<16xf32>,
    %max3A_267 = arith.constant 0.000000e+00 : f32
    %max3A_268 = vector.broadcast %max3A_267 : f32 to vector<16xf32>
    %max3A_269 = arith.maximumf %gather3A_266, %max3A_268 : vector<16xf32>
    %mul3A_270 = arith.constant 1.000000e+02 : f32
    %mul3A_271 = vector.broadcast %mul3A_270 : f32 to vector<16xf32>
    %mul3A_272 = arith.mulf %max3A_269, %mul3A_271 : vector<16xf32>
    %convert_element_type3A_273 = arith.fptosi %mul3A_272 : vector<16xf32> to vector<16xi32>
    %min3A_274 = arith.constant 99 : i32
    %min3A_275 = vector.broadcast %min3A_274 : i32 to vector<16xi32>
    %min3A_276 = arith.minsi %convert_element_type3A_273, %min3A_275 : vector<16xi32>
    %add3A_277 = arith.constant 241 : i32
    %add3A_278 = vector.broadcast %add3A_277 : i32 to vector<16xi32>
    %add3A_279 = arith.addi %mul3A_7, %add3A_278 : vector<16xi32>
    %gather3A_280 = tpu.vector_load_idx %arg5[%add3A_279] : memref<1536xf32, #tpu.memory_space<vmem>>[vector<16xi32>], vector<16xf32>,
    %max3A_281 = arith.constant 0.000000e+00 : f32
    %max3A_282 = vector.broadcast %max3A_281 : f32 to vector<16xf32>
    %max3A_283 = arith.maximumf %gather3A_280, %max3A_282 : vector<16xf32>
    %mul3A_284 = arith.constant 1.000000e+02 : f32
    %mul3A_285 = vector.broadcast %mul3A_284 : f32 to vector<16xf32>
    %mul3A_286 = arith.mulf %max3A_283, %mul3A_285 : vector<16xf32>
    %convert_element_type3A_287 = arith.fptosi %mul3A_286 : vector<16xf32> to vector<16xi32>
    %min3A_288 = arith.constant 99 : i32
    %min3A_289 = vector.broadcast %min3A_288 : i32 to vector<16xi32>
    %min3A_290 = arith.minsi %convert_element_type3A_287, %min3A_289 : vector<16xi32>
    %add3A_291 = arith.constant 242 : i32
    %add3A_292 = vector.broadcast %add3A_291 : i32 to vector<16xi32>
    %add3A_293 = arith.addi %mul3A_7, %add3A_292 : vector<16xi32>
    %gather3A_294 = tpu.vector_load_idx %arg5[%add3A_293] : memref<1536xf32, #tpu.memory_space<vmem>>[vector<16xi32>], vector<16xf32>,
    %max3A_295 = arith.constant 0.000000e+00 : f32
    %max3A_296 = vector.broadcast %max3A_295 : f32 to vector<16xf32>
    %max3A_297 = arith.maximumf %gather3A_294, %max3A_296 : vector<16xf32>
    %mul3A_298 = arith.constant 1.000000e+02 : f32
    %mul3A_299 = vector.broadcast %mul3A_298 : f32 to vector<16xf32>
    %mul3A_300 = arith.mulf %max3A_297, %mul3A_299 : vector<16xf32>
    %convert_element_type3A_301 = arith.fptosi %mul3A_300 : vector<16xf32> to vector<16xi32>
    %min3A_302 = arith.constant 99 : i32
    %min3A_303 = vector.broadcast %min3A_302 : i32 to vector<16xi32>
    %min3A_304 = arith.minsi %convert_element_type3A_301, %min3A_303 : vector<16xi32>
    %mul3A_305 = arith.constant 100 : i32
    %mul3A_306 = vector.broadcast %mul3A_305 : i32 to vector<16xi32>
    %mul3A_307 = arith.muli %min3A_290, %mul3A_306 : vector<16xi32>
    %add3A_308 = arith.addi %min3A_276, %mul3A_307 : vector<16xi32>
    %mul3A_309 = arith.constant 10000 : i32
    %mul3A_310 = vector.broadcast %mul3A_309 : i32 to vector<16xi32>
    %mul3A_311 = arith.muli %min3A_304, %mul3A_310 : vector<16xi32>
    %add3A_312 = arith.addi %add3A_308, %mul3A_311 : vector<16xi32>
    %swap3A_313 = arith.constant 80 : index
    %swap3A_314 = tpu.vector_load %arg6[%swap3A_313] {strides = array<i32>} : memref<128xi32, #tpu.memory_space<vmem>>, vector<16xi32>,
    tpu.vector_store %arg6[%swap3A_313], %add3A_312 {strides = array<i32>} : memref<128xi32, #tpu.memory_space<vmem>>, vector<16xi32>,
    %add3A_315 = arith.constant 288 : i32
    %add3A_316 = vector.broadcast %add3A_315 : i32 to vector<16xi32>
    %add3A_317 = arith.addi %mul3A_7, %add3A_316 : vector<16xi32>
    %gather3A_318 = tpu.vector_load_idx %arg5[%add3A_317] : memref<1536xf32, #tpu.memory_space<vmem>>[vector<16xi32>], vector<16xf32>,
    %max3A_319 = arith.constant 0.000000e+00 : f32
    %max3A_320 = vector.broadcast %max3A_319 : f32 to vector<16xf32>
    %max3A_321 = arith.maximumf %gather3A_318, %max3A_320 : vector<16xf32>
    %mul3A_322 = arith.constant 1.000000e+02 : f32
    %mul3A_323 = vector.broadcast %mul3A_322 : f32 to vector<16xf32>
    %mul3A_324 = arith.mulf %max3A_321, %mul3A_323 : vector<16xf32>
    %convert_element_type3A_325 = arith.fptosi %mul3A_324 : vector<16xf32> to vector<16xi32>
    %min3A_326 = arith.constant 99 : i32
    %min3A_327 = vector.broadcast %min3A_326 : i32 to vector<16xi32>
    %min3A_328 = arith.minsi %convert_element_type3A_325, %min3A_327 : vector<16xi32>
    %add3A_329 = arith.constant 289 : i32
    %add3A_330 = vector.broadcast %add3A_329 : i32 to vector<16xi32>
    %add3A_331 = arith.addi %mul3A_7, %add3A_330 : vector<16xi32>
    %gather3A_332 = tpu.vector_load_idx %arg5[%add3A_331] : memref<1536xf32, #tpu.memory_space<vmem>>[vector<16xi32>], vector<16xf32>,
    %max3A_333 = arith.constant 0.000000e+00 : f32
    %max3A_334 = vector.broadcast %max3A_333 : f32 to vector<16xf32>
    %max3A_335 = arith.maximumf %gather3A_332, %max3A_334 : vector<16xf32>
    %mul3A_336 = arith.constant 1.000000e+02 : f32
    %mul3A_337 = vector.broadcast %mul3A_336 : f32 to vector<16xf32>
    %mul3A_338 = arith.mulf %max3A_335, %mul3A_337 : vector<16xf32>
    %convert_element_type3A_339 = arith.fptosi %mul3A_338 : vector<16xf32> to vector<16xi32>
    %min3A_340 = arith.constant 99 : i32
    %min3A_341 = vector.broadcast %min3A_340 : i32 to vector<16xi32>
    %min3A_342 = arith.minsi %convert_element_type3A_339, %min3A_341 : vector<16xi32>
    %add3A_343 = arith.constant 290 : i32
    %add3A_344 = vector.broadcast %add3A_343 : i32 to vector<16xi32>
    %add3A_345 = arith.addi %mul3A_7, %add3A_344 : vector<16xi32>
    %gather3A_346 = tpu.vector_load_idx %arg5[%add3A_345] : memref<1536xf32, #tpu.memory_space<vmem>>[vector<16xi32>], vector<16xf32>,
    %max3A_347 = arith.constant 0.000000e+00 : f32
    %max3A_348 = vector.broadcast %max3A_347 : f32 to vector<16xf32>
    %max3A_349 = arith.maximumf %gather3A_346, %max3A_348 : vector<16xf32>
    %mul3A_350 = arith.constant 1.000000e+02 : f32
    %mul3A_351 = vector.broadcast %mul3A_350 : f32 to vector<16xf32>
    %mul3A_352 = arith.mulf %max3A_349, %mul3A_351 : vector<16xf32>
    %convert_element_type3A_353 = arith.fptosi %mul3A_352 : vector<16xf32> to vector<16xi32>
    %min3A_354 = arith.constant 99 : i32
    %min3A_355 = vector.broadcast %min3A_354 : i32 to vector<16xi32>
    %min3A_356 = arith.minsi %convert_element_type3A_353, %min3A_355 : vector<16xi32>
    %mul3A_357 = arith.constant 100 : i32
    %mul3A_358 = vector.broadcast %mul3A_357 : i32 to vector<16xi32>
    %mul3A_359 = arith.muli %min3A_342, %mul3A_358 : vector<16xi32>
    %add3A_360 = arith.addi %min3A_328, %mul3A_359 : vector<16xi32>
    %mul3A_361 = arith.constant 10000 : i32
    %mul3A_362 = vector.broadcast %mul3A_361 : i32 to vector<16xi32>
    %mul3A_363 = arith.muli %min3A_356, %mul3A_362 : vector<16xi32>
    %add3A_364 = arith.addi %add3A_360, %mul3A_363 : vector<16xi32>
    %swap3A_365 = arith.constant 96 : index
    %swap3A_366 = tpu.vector_load %arg6[%swap3A_365] {strides = array<i32>} : memref<128xi32, #tpu.memory_space<vmem>>, vector<16xi32>,
    tpu.vector_store %arg6[%swap3A_365], %add3A_364 {strides = array<i32>} : memref<128xi32, #tpu.memory_space<vmem>>, vector<16xi32>,
    %add3A_367 = arith.constant 336 : i32
    %add3A_368 = vector.broadcast %add3A_367 : i32 to vector<16xi32>
    %add3A_369 = arith.addi %mul3A_7, %add3A_368 : vector<16xi32>
    %gather3A_370 = tpu.vector_load_idx %arg5[%add3A_369] : memref<1536xf32, #tpu.memory_space<vmem>>[vector<16xi32>], vector<16xf32>,
    %max3A_371 = arith.constant 0.000000e+00 : f32
    %max3A_372 = vector.broadcast %max3A_371 : f32 to vector<16xf32>
    %max3A_373 = arith.maximumf %gather3A_370, %max3A_372 : vector<16xf32>
    %mul3A_374 = arith.constant 1.000000e+02 : f32
    %mul3A_375 = vector.broadcast %mul3A_374 : f32 to vector<16xf32>
    %mul3A_376 = arith.mulf %max3A_373, %mul3A_375 : vector<16xf32>
    %convert_element_type3A_377 = arith.fptosi %mul3A_376 : vector<16xf32> to vector<16xi32>
    %min3A_378 = arith.constant 99 : i32
    %min3A_379 = vector.broadcast %min3A_378 : i32 to vector<16xi32>
    %min3A_380 = arith.minsi %convert_element_type3A_377, %min3A_379 : vector<16xi32>
    %add3A_381 = arith.constant 337 : i32
    %add3A_382 = vector.broadcast %add3A_381 : i32 to vector<16xi32>
    %add3A_383 = arith.addi %mul3A_7, %add3A_382 : vector<16xi32>
    %gather3A_384 = tpu.vector_load_idx %arg5[%add3A_383] : memref<1536xf32, #tpu.memory_space<vmem>>[vector<16xi32>], vector<16xf32>,
    %max3A_385 = arith.constant 0.000000e+00 : f32
    %max3A_386 = vector.broadcast %max3A_385 : f32 to vector<16xf32>
    %max3A_387 = arith.maximumf %gather3A_384, %max3A_386 : vector<16xf32>
    %mul3A_388 = arith.constant 1.000000e+02 : f32
    %mul3A_389 = vector.broadcast %mul3A_388 : f32 to vector<16xf32>
    %mul3A_390 = arith.mulf %max3A_387, %mul3A_389 : vector<16xf32>
    %convert_element_type3A_391 = arith.fptosi %mul3A_390 : vector<16xf32> to vector<16xi32>
    %min3A_392 = arith.constant 99 : i32
    %min3A_393 = vector.broadcast %min3A_392 : i32 to vector<16xi32>
    %min3A_394 = arith.minsi %convert_element_type3A_391, %min3A_393 : vector<16xi32>
    %add3A_395 = arith.constant 338 : i32
    %add3A_396 = vector.broadcast %add3A_395 : i32 to vector<16xi32>
    %add3A_397 = arith.addi %mul3A_7, %add3A_396 : vector<16xi32>
    %gather3A_398 = tpu.vector_load_idx %arg5[%add3A_397] : memref<1536xf32, #tpu.memory_space<vmem>>[vector<16xi32>], vector<16xf32>,
    %max3A_399 = arith.constant 0.000000e+00 : f32
    %max3A_400 = vector.broadcast %max3A_399 : f32 to vector<16xf32>
    %max3A_401 = arith.maximumf %gather3A_398, %max3A_400 : vector<16xf32>
    %mul3A_402 = arith.constant 1.000000e+02 : f32
    %mul3A_403 = vector.broadcast %mul3A_402 : f32 to vector<16xf32>
    %mul3A_404 = arith.mulf %max3A_401, %mul3A_403 : vector<16xf32>
    %convert_element_type3A_405 = arith.fptosi %mul3A_404 : vector<16xf32> to vector<16xi32>
    %min3A_406 = arith.constant 99 : i32
    %min3A_407 = vector.broadcast %min3A_406 : i32 to vector<16xi32>
    %min3A_408 = arith.minsi %convert_element_type3A_405, %min3A_407 : vector<16xi32>
    %mul3A_409 = arith.constant 100 : i32
    %mul3A_410 = vector.broadcast %mul3A_409 : i32 to vector<16xi32>
    %mul3A_411 = arith.muli %min3A_394, %mul3A_410 : vector<16xi32>
    %add3A_412 = arith.addi %min3A_380, %mul3A_411 : vector<16xi32>
    %mul3A_413 = arith.constant 10000 : i32
    %mul3A_414 = vector.broadcast %mul3A_413 : i32 to vector<16xi32>
    %mul3A_415 = arith.muli %min3A_408, %mul3A_414 : vector<16xi32>
    %add3A_416 = arith.addi %add3A_412, %mul3A_415 : vector<16xi32>
    %swap3A_417 = arith.constant 112 : index
    %swap3A_418 = tpu.vector_load %arg6[%swap3A_417] {strides = array<i32>} : memref<128xi32, #tpu.memory_space<vmem>>, vector<16xi32>,
    tpu.vector_store %arg6[%swap3A_417], %add3A_416 {strides = array<i32>} : memref<128xi32, #tpu.memory_space<vmem>>, vector<16xi32>,
    %dma_start3A = arith.constant 0 : i32
    %dma_start3A_419 = arith.constant 0 : i32
    %dma_start3A_420 = tpu.memref_slice %arg3[%dma_start3A, %dma_start3A_419] : memref<1000001x16xf32, #tpu.memory_space<hbm>> -> memref<1000001x16xf32, #tpu.memory_space<hbm>>
    tpu.enqueue_indirect_dma source(%dma_start3A_420 : memref<1000001x16xf32, #tpu.memory_space<hbm>>) target(%arg10 : memref<128x16xf32, #tpu.memory_space<vmem>>) offsets(%arg6 : memref<128xi32, #tpu.memory_space<vmem>>) semaphore(%arg14 : memref<!tpu.dma_semaphore, #tpu.memory_space<semaphore_mem>>)
    %add3A_421 = arith.constant 384 : i32
    %add3A_422 = vector.broadcast %add3A_421 : i32 to vector<16xi32>
    %add3A_423 = arith.addi %mul3A_7, %add3A_422 : vector<16xi32>
    %gather3A_424 = tpu.vector_load_idx %arg5[%add3A_423] : memref<1536xf32, #tpu.memory_space<vmem>>[vector<16xi32>], vector<16xf32>,
    %max3A_425 = arith.constant 0.000000e+00 : f32
    %max3A_426 = vector.broadcast %max3A_425 : f32 to vector<16xf32>
    %max3A_427 = arith.maximumf %gather3A_424, %max3A_426 : vector<16xf32>
    %mul3A_428 = arith.constant 1.000000e+02 : f32
    %mul3A_429 = vector.broadcast %mul3A_428 : f32 to vector<16xf32>
    %mul3A_430 = arith.mulf %max3A_427, %mul3A_429 : vector<16xf32>
    %convert_element_type3A_431 = arith.fptosi %mul3A_430 : vector<16xf32> to vector<16xi32>
    %min3A_432 = arith.constant 99 : i32
    %min3A_433 = vector.broadcast %min3A_432 : i32 to vector<16xi32>
    %min3A_434 = arith.minsi %convert_element_type3A_431, %min3A_433 : vector<16xi32>
    %add3A_435 = arith.constant 385 : i32
    %add3A_436 = vector.broadcast %add3A_435 : i32 to vector<16xi32>
    %add3A_437 = arith.addi %mul3A_7, %add3A_436 : vector<16xi32>
    %gather3A_438 = tpu.vector_load_idx %arg5[%add3A_437] : memref<1536xf32, #tpu.memory_space<vmem>>[vector<16xi32>], vector<16xf32>,
    %max3A_439 = arith.constant 0.000000e+00 : f32
    %max3A_440 = vector.broadcast %max3A_439 : f32 to vector<16xf32>
    %max3A_441 = arith.maximumf %gather3A_438, %max3A_440 : vector<16xf32>
    %mul3A_442 = arith.constant 1.000000e+02 : f32
    %mul3A_443 = vector.broadcast %mul3A_442 : f32 to vector<16xf32>
    %mul3A_444 = arith.mulf %max3A_441, %mul3A_443 : vector<16xf32>
    %convert_element_type3A_445 = arith.fptosi %mul3A_444 : vector<16xf32> to vector<16xi32>
    %min3A_446 = arith.constant 99 : i32
    %min3A_447 = vector.broadcast %min3A_446 : i32 to vector<16xi32>
    %min3A_448 = arith.minsi %convert_element_type3A_445, %min3A_447 : vector<16xi32>
    %add3A_449 = arith.constant 386 : i32
    %add3A_450 = vector.broadcast %add3A_449 : i32 to vector<16xi32>
    %add3A_451 = arith.addi %mul3A_7, %add3A_450 : vector<16xi32>
    %gather3A_452 = tpu.vector_load_idx %arg5[%add3A_451] : memref<1536xf32, #tpu.memory_space<vmem>>[vector<16xi32>], vector<16xf32>,
    %max3A_453 = arith.constant 0.000000e+00 : f32
    %max3A_454 = vector.broadcast %max3A_453 : f32 to vector<16xf32>
    %max3A_455 = arith.maximumf %gather3A_452, %max3A_454 : vector<16xf32>
    %mul3A_456 = arith.constant 1.000000e+02 : f32
    %mul3A_457 = vector.broadcast %mul3A_456 : f32 to vector<16xf32>
    %mul3A_458 = arith.mulf %max3A_455, %mul3A_457 : vector<16xf32>
    %convert_element_type3A_459 = arith.fptosi %mul3A_458 : vector<16xf32> to vector<16xi32>
    %min3A_460 = arith.constant 99 : i32
    %min3A_461 = vector.broadcast %min3A_460 : i32 to vector<16xi32>
    %min3A_462 = arith.minsi %convert_element_type3A_459, %min3A_461 : vector<16xi32>
    %mul3A_463 = arith.constant 100 : i32
    %mul3A_464 = vector.broadcast %mul3A_463 : i32 to vector<16xi32>
    %mul3A_465 = arith.muli %min3A_448, %mul3A_464 : vector<16xi32>
    %add3A_466 = arith.addi %min3A_434, %mul3A_465 : vector<16xi32>
    %mul3A_467 = arith.constant 10000 : i32
    %mul3A_468 = vector.broadcast %mul3A_467 : i32 to vector<16xi32>
    %mul3A_469 = arith.muli %min3A_462, %mul3A_468 : vector<16xi32>
    %add3A_470 = arith.addi %add3A_466, %mul3A_469 : vector<16xi32>
    %swap3A_471 = arith.constant 0 : index
    %swap3A_472 = tpu.vector_load %arg7[%swap3A_471] {strides = array<i32>} : memref<128xi32, #tpu.memory_space<vmem>>, vector<16xi32>,
    tpu.vector_store %arg7[%swap3A_471], %add3A_470 {strides = array<i32>} : memref<128xi32, #tpu.memory_space<vmem>>, vector<16xi32>,
    %add3A_473 = arith.constant 432 : i32
    %add3A_474 = vector.broadcast %add3A_473 : i32 to vector<16xi32>
    %add3A_475 = arith.addi %mul3A_7, %add3A_474 : vector<16xi32>
    %gather3A_476 = tpu.vector_load_idx %arg5[%add3A_475] : memref<1536xf32, #tpu.memory_space<vmem>>[vector<16xi32>], vector<16xf32>,
    %max3A_477 = arith.constant 0.000000e+00 : f32
    %max3A_478 = vector.broadcast %max3A_477 : f32 to vector<16xf32>
    %max3A_479 = arith.maximumf %gather3A_476, %max3A_478 : vector<16xf32>
    %mul3A_480 = arith.constant 1.000000e+02 : f32
    %mul3A_481 = vector.broadcast %mul3A_480 : f32 to vector<16xf32>
    %mul3A_482 = arith.mulf %max3A_479, %mul3A_481 : vector<16xf32>
    %convert_element_type3A_483 = arith.fptosi %mul3A_482 : vector<16xf32> to vector<16xi32>
    %min3A_484 = arith.constant 99 : i32
    %min3A_485 = vector.broadcast %min3A_484 : i32 to vector<16xi32>
    %min3A_486 = arith.minsi %convert_element_type3A_483, %min3A_485 : vector<16xi32>
    %add3A_487 = arith.constant 433 : i32
    %add3A_488 = vector.broadcast %add3A_487 : i32 to vector<16xi32>
    %add3A_489 = arith.addi %mul3A_7, %add3A_488 : vector<16xi32>
    %gather3A_490 = tpu.vector_load_idx %arg5[%add3A_489] : memref<1536xf32, #tpu.memory_space<vmem>>[vector<16xi32>], vector<16xf32>,
    %max3A_491 = arith.constant 0.000000e+00 : f32
    %max3A_492 = vector.broadcast %max3A_491 : f32 to vector<16xf32>
    %max3A_493 = arith.maximumf %gather3A_490, %max3A_492 : vector<16xf32>
    %mul3A_494 = arith.constant 1.000000e+02 : f32
    %mul3A_495 = vector.broadcast %mul3A_494 : f32 to vector<16xf32>
    %mul3A_496 = arith.mulf %max3A_493, %mul3A_495 : vector<16xf32>
    %convert_element_type3A_497 = arith.fptosi %mul3A_496 : vector<16xf32> to vector<16xi32>
    %min3A_498 = arith.constant 99 : i32
    %min3A_499 = vector.broadcast %min3A_498 : i32 to vector<16xi32>
    %min3A_500 = arith.minsi %convert_element_type3A_497, %min3A_499 : vector<16xi32>
    %add3A_501 = arith.constant 434 : i32
    %add3A_502 = vector.broadcast %add3A_501 : i32 to vector<16xi32>
    %add3A_503 = arith.addi %mul3A_7, %add3A_502 : vector<16xi32>
    %gather3A_504 = tpu.vector_load_idx %arg5[%add3A_503] : memref<1536xf32, #tpu.memory_space<vmem>>[vector<16xi32>], vector<16xf32>,
    %max3A_505 = arith.constant 0.000000e+00 : f32
    %max3A_506 = vector.broadcast %max3A_505 : f32 to vector<16xf32>
    %max3A_507 = arith.maximumf %gather3A_504, %max3A_506 : vector<16xf32>
    %mul3A_508 = arith.constant 1.000000e+02 : f32
    %mul3A_509 = vector.broadcast %mul3A_508 : f32 to vector<16xf32>
    %mul3A_510 = arith.mulf %max3A_507, %mul3A_509 : vector<16xf32>
    %convert_element_type3A_511 = arith.fptosi %mul3A_510 : vector<16xf32> to vector<16xi32>
    %min3A_512 = arith.constant 99 : i32
    %min3A_513 = vector.broadcast %min3A_512 : i32 to vector<16xi32>
    %min3A_514 = arith.minsi %convert_element_type3A_511, %min3A_513 : vector<16xi32>
    %mul3A_515 = arith.constant 100 : i32
    %mul3A_516 = vector.broadcast %mul3A_515 : i32 to vector<16xi32>
    %mul3A_517 = arith.muli %min3A_500, %mul3A_516 : vector<16xi32>
    %add3A_518 = arith.addi %min3A_486, %mul3A_517 : vector<16xi32>
    %mul3A_519 = arith.constant 10000 : i32
    %mul3A_520 = vector.broadcast %mul3A_519 : i32 to vector<16xi32>
    %mul3A_521 = arith.muli %min3A_514, %mul3A_520 : vector<16xi32>
    %add3A_522 = arith.addi %add3A_518, %mul3A_521 : vector<16xi32>
    %swap3A_523 = arith.constant 16 : index
    %swap3A_524 = tpu.vector_load %arg7[%swap3A_523] {strides = array<i32>} : memref<128xi32, #tpu.memory_space<vmem>>, vector<16xi32>,
    tpu.vector_store %arg7[%swap3A_523], %add3A_522 {strides = array<i32>} : memref<128xi32, #tpu.memory_space<vmem>>, vector<16xi32>,
    %add3A_525 = arith.constant 480 : i32
    %add3A_526 = vector.broadcast %add3A_525 : i32 to vector<16xi32>
    %add3A_527 = arith.addi %mul3A_7, %add3A_526 : vector<16xi32>
    %gather3A_528 = tpu.vector_load_idx %arg5[%add3A_527] : memref<1536xf32, #tpu.memory_space<vmem>>[vector<16xi32>], vector<16xf32>,
    %max3A_529 = arith.constant 0.000000e+00 : f32
    %max3A_530 = vector.broadcast %max3A_529 : f32 to vector<16xf32>
    %max3A_531 = arith.maximumf %gather3A_528, %max3A_530 : vector<16xf32>
    %mul3A_532 = arith.constant 1.000000e+02 : f32
    %mul3A_533 = vector.broadcast %mul3A_532 : f32 to vector<16xf32>
    %mul3A_534 = arith.mulf %max3A_531, %mul3A_533 : vector<16xf32>
    %convert_element_type3A_535 = arith.fptosi %mul3A_534 : vector<16xf32> to vector<16xi32>
    %min3A_536 = arith.constant 99 : i32
    %min3A_537 = vector.broadcast %min3A_536 : i32 to vector<16xi32>
    %min3A_538 = arith.minsi %convert_element_type3A_535, %min3A_537 : vector<16xi32>
    %add3A_539 = arith.constant 481 : i32
    %add3A_540 = vector.broadcast %add3A_539 : i32 to vector<16xi32>
    %add3A_541 = arith.addi %mul3A_7, %add3A_540 : vector<16xi32>
    %gather3A_542 = tpu.vector_load_idx %arg5[%add3A_541] : memref<1536xf32, #tpu.memory_space<vmem>>[vector<16xi32>], vector<16xf32>,
    %max3A_543 = arith.constant 0.000000e+00 : f32
    %max3A_544 = vector.broadcast %max3A_543 : f32 to vector<16xf32>
    %max3A_545 = arith.maximumf %gather3A_542, %max3A_544 : vector<16xf32>
    %mul3A_546 = arith.constant 1.000000e+02 : f32
    %mul3A_547 = vector.broadcast %mul3A_546 : f32 to vector<16xf32>
    %mul3A_548 = arith.mulf %max3A_545, %mul3A_547 : vector<16xf32>
    %convert_element_type3A_549 = arith.fptosi %mul3A_548 : vector<16xf32> to vector<16xi32>
    %min3A_550 = arith.constant 99 : i32
    %min3A_551 = vector.broadcast %min3A_550 : i32 to vector<16xi32>
    %min3A_552 = arith.minsi %convert_element_type3A_549, %min3A_551 : vector<16xi32>
    %add3A_553 = arith.constant 482 : i32
    %add3A_554 = vector.broadcast %add3A_553 : i32 to vector<16xi32>
    %add3A_555 = arith.addi %mul3A_7, %add3A_554 : vector<16xi32>
    %gather3A_556 = tpu.vector_load_idx %arg5[%add3A_555] : memref<1536xf32, #tpu.memory_space<vmem>>[vector<16xi32>], vector<16xf32>,
    %max3A_557 = arith.constant 0.000000e+00 : f32
    %max3A_558 = vector.broadcast %max3A_557 : f32 to vector<16xf32>
    %max3A_559 = arith.maximumf %gather3A_556, %max3A_558 : vector<16xf32>
    %mul3A_560 = arith.constant 1.000000e+02 : f32
    %mul3A_561 = vector.broadcast %mul3A_560 : f32 to vector<16xf32>
    %mul3A_562 = arith.mulf %max3A_559, %mul3A_561 : vector<16xf32>
    %convert_element_type3A_563 = arith.fptosi %mul3A_562 : vector<16xf32> to vector<16xi32>
    %min3A_564 = arith.constant 99 : i32
    %min3A_565 = vector.broadcast %min3A_564 : i32 to vector<16xi32>
    %min3A_566 = arith.minsi %convert_element_type3A_563, %min3A_565 : vector<16xi32>
    %mul3A_567 = arith.constant 100 : i32
    %mul3A_568 = vector.broadcast %mul3A_567 : i32 to vector<16xi32>
    %mul3A_569 = arith.muli %min3A_552, %mul3A_568 : vector<16xi32>
    %add3A_570 = arith.addi %min3A_538, %mul3A_569 : vector<16xi32>
    %mul3A_571 = arith.constant 10000 : i32
    %mul3A_572 = vector.broadcast %mul3A_571 : i32 to vector<16xi32>
    %mul3A_573 = arith.muli %min3A_566, %mul3A_572 : vector<16xi32>
    %add3A_574 = arith.addi %add3A_570, %mul3A_573 : vector<16xi32>
    %swap3A_575 = arith.constant 32 : index
    %swap3A_576 = tpu.vector_load %arg7[%swap3A_575] {strides = array<i32>} : memref<128xi32, #tpu.memory_space<vmem>>, vector<16xi32>,
    tpu.vector_store %arg7[%swap3A_575], %add3A_574 {strides = array<i32>} : memref<128xi32, #tpu.memory_space<vmem>>, vector<16xi32>,
    %add3A_577 = arith.constant 528 : i32
    %add3A_578 = vector.broadcast %add3A_577 : i32 to vector<16xi32>
    %add3A_579 = arith.addi %mul3A_7, %add3A_578 : vector<16xi32>
    %gather3A_580 = tpu.vector_load_idx %arg5[%add3A_579] : memref<1536xf32, #tpu.memory_space<vmem>>[vector<16xi32>], vector<16xf32>,
    %max3A_581 = arith.constant 0.000000e+00 : f32
    %max3A_582 = vector.broadcast %max3A_581 : f32 to vector<16xf32>
    %max3A_583 = arith.maximumf %gather3A_580, %max3A_582 : vector<16xf32>
    %mul3A_584 = arith.constant 1.000000e+02 : f32
    %mul3A_585 = vector.broadcast %mul3A_584 : f32 to vector<16xf32>
    %mul3A_586 = arith.mulf %max3A_583, %mul3A_585 : vector<16xf32>
    %convert_element_type3A_587 = arith.fptosi %mul3A_586 : vector<16xf32> to vector<16xi32>
    %min3A_588 = arith.constant 99 : i32
    %min3A_589 = vector.broadcast %min3A_588 : i32 to vector<16xi32>
    %min3A_590 = arith.minsi %convert_element_type3A_587, %min3A_589 : vector<16xi32>
    %add3A_591 = arith.constant 529 : i32
    %add3A_592 = vector.broadcast %add3A_591 : i32 to vector<16xi32>
    %add3A_593 = arith.addi %mul3A_7, %add3A_592 : vector<16xi32>
    %gather3A_594 = tpu.vector_load_idx %arg5[%add3A_593] : memref<1536xf32, #tpu.memory_space<vmem>>[vector<16xi32>], vector<16xf32>,
    %max3A_595 = arith.constant 0.000000e+00 : f32
    %max3A_596 = vector.broadcast %max3A_595 : f32 to vector<16xf32>
    %max3A_597 = arith.maximumf %gather3A_594, %max3A_596 : vector<16xf32>
    %mul3A_598 = arith.constant 1.000000e+02 : f32
    %mul3A_599 = vector.broadcast %mul3A_598 : f32 to vector<16xf32>
    %mul3A_600 = arith.mulf %max3A_597, %mul3A_599 : vector<16xf32>
    %convert_element_type3A_601 = arith.fptosi %mul3A_600 : vector<16xf32> to vector<16xi32>
    %min3A_602 = arith.constant 99 : i32
    %min3A_603 = vector.broadcast %min3A_602 : i32 to vector<16xi32>
    %min3A_604 = arith.minsi %convert_element_type3A_601, %min3A_603 : vector<16xi32>
    %add3A_605 = arith.constant 530 : i32
    %add3A_606 = vector.broadcast %add3A_605 : i32 to vector<16xi32>
    %add3A_607 = arith.addi %mul3A_7, %add3A_606 : vector<16xi32>
    %gather3A_608 = tpu.vector_load_idx %arg5[%add3A_607] : memref<1536xf32, #tpu.memory_space<vmem>>[vector<16xi32>], vector<16xf32>,
    %max3A_609 = arith.constant 0.000000e+00 : f32
    %max3A_610 = vector.broadcast %max3A_609 : f32 to vector<16xf32>
    %max3A_611 = arith.maximumf %gather3A_608, %max3A_610 : vector<16xf32>
    %mul3A_612 = arith.constant 1.000000e+02 : f32
    %mul3A_613 = vector.broadcast %mul3A_612 : f32 to vector<16xf32>
    %mul3A_614 = arith.mulf %max3A_611, %mul3A_613 : vector<16xf32>
    %convert_element_type3A_615 = arith.fptosi %mul3A_614 : vector<16xf32> to vector<16xi32>
    %min3A_616 = arith.constant 99 : i32
    %min3A_617 = vector.broadcast %min3A_616 : i32 to vector<16xi32>
    %min3A_618 = arith.minsi %convert_element_type3A_615, %min3A_617 : vector<16xi32>
    %mul3A_619 = arith.constant 100 : i32
    %mul3A_620 = vector.broadcast %mul3A_619 : i32 to vector<16xi32>
    %mul3A_621 = arith.muli %min3A_604, %mul3A_620 : vector<16xi32>
    %add3A_622 = arith.addi %min3A_590, %mul3A_621 : vector<16xi32>
    %mul3A_623 = arith.constant 10000 : i32
    %mul3A_624 = vector.broadcast %mul3A_623 : i32 to vector<16xi32>
    %mul3A_625 = arith.muli %min3A_618, %mul3A_624 : vector<16xi32>
    %add3A_626 = arith.addi %add3A_622, %mul3A_625 : vector<16xi32>
    %swap3A_627 = arith.constant 48 : index
    %swap3A_628 = tpu.vector_load %arg7[%swap3A_627] {strides = array<i32>} : memref<128xi32, #tpu.memory_space<vmem>>, vector<16xi32>,
    tpu.vector_store %arg7[%swap3A_627], %add3A_626 {strides = array<i32>} : memref<128xi32, #tpu.memory_space<vmem>>, vector<16xi32>,
    %add3A_629 = arith.constant 576 : i32
    %add3A_630 = vector.broadcast %add3A_629 : i32 to vector<16xi32>
    %add3A_631 = arith.addi %mul3A_7, %add3A_630 : vector<16xi32>
    %gather3A_632 = tpu.vector_load_idx %arg5[%add3A_631] : memref<1536xf32, #tpu.memory_space<vmem>>[vector<16xi32>], vector<16xf32>,
    %max3A_633 = arith.constant 0.000000e+00 : f32
    %max3A_634 = vector.broadcast %max3A_633 : f32 to vector<16xf32>
    %max3A_635 = arith.maximumf %gather3A_632, %max3A_634 : vector<16xf32>
    %mul3A_636 = arith.constant 1.000000e+02 : f32
    %mul3A_637 = vector.broadcast %mul3A_636 : f32 to vector<16xf32>
    %mul3A_638 = arith.mulf %max3A_635, %mul3A_637 : vector<16xf32>
    %convert_element_type3A_639 = arith.fptosi %mul3A_638 : vector<16xf32> to vector<16xi32>
    %min3A_640 = arith.constant 99 : i32
    %min3A_641 = vector.broadcast %min3A_640 : i32 to vector<16xi32>
    %min3A_642 = arith.minsi %convert_element_type3A_639, %min3A_641 : vector<16xi32>
    %add3A_643 = arith.constant 577 : i32
    %add3A_644 = vector.broadcast %add3A_643 : i32 to vector<16xi32>
    %add3A_645 = arith.addi %mul3A_7, %add3A_644 : vector<16xi32>
    %gather3A_646 = tpu.vector_load_idx %arg5[%add3A_645] : memref<1536xf32, #tpu.memory_space<vmem>>[vector<16xi32>], vector<16xf32>,
    %max3A_647 = arith.constant 0.000000e+00 : f32
    %max3A_648 = vector.broadcast %max3A_647 : f32 to vector<16xf32>
    %max3A_649 = arith.maximumf %gather3A_646, %max3A_648 : vector<16xf32>
    %mul3A_650 = arith.constant 1.000000e+02 : f32
    %mul3A_651 = vector.broadcast %mul3A_650 : f32 to vector<16xf32>
    %mul3A_652 = arith.mulf %max3A_649, %mul3A_651 : vector<16xf32>
    %convert_element_type3A_653 = arith.fptosi %mul3A_652 : vector<16xf32> to vector<16xi32>
    %min3A_654 = arith.constant 99 : i32
    %min3A_655 = vector.broadcast %min3A_654 : i32 to vector<16xi32>
    %min3A_656 = arith.minsi %convert_element_type3A_653, %min3A_655 : vector<16xi32>
    %add3A_657 = arith.constant 578 : i32
    %add3A_658 = vector.broadcast %add3A_657 : i32 to vector<16xi32>
    %add3A_659 = arith.addi %mul3A_7, %add3A_658 : vector<16xi32>
    %gather3A_660 = tpu.vector_load_idx %arg5[%add3A_659] : memref<1536xf32, #tpu.memory_space<vmem>>[vector<16xi32>], vector<16xf32>,
    %max3A_661 = arith.constant 0.000000e+00 : f32
    %max3A_662 = vector.broadcast %max3A_661 : f32 to vector<16xf32>
    %max3A_663 = arith.maximumf %gather3A_660, %max3A_662 : vector<16xf32>
    %mul3A_664 = arith.constant 1.000000e+02 : f32
    %mul3A_665 = vector.broadcast %mul3A_664 : f32 to vector<16xf32>
    %mul3A_666 = arith.mulf %max3A_663, %mul3A_665 : vector<16xf32>
    %convert_element_type3A_667 = arith.fptosi %mul3A_666 : vector<16xf32> to vector<16xi32>
    %min3A_668 = arith.constant 99 : i32
    %min3A_669 = vector.broadcast %min3A_668 : i32 to vector<16xi32>
    %min3A_670 = arith.minsi %convert_element_type3A_667, %min3A_669 : vector<16xi32>
    %mul3A_671 = arith.constant 100 : i32
    %mul3A_672 = vector.broadcast %mul3A_671 : i32 to vector<16xi32>
    %mul3A_673 = arith.muli %min3A_656, %mul3A_672 : vector<16xi32>
    %add3A_674 = arith.addi %min3A_642, %mul3A_673 : vector<16xi32>
    %mul3A_675 = arith.constant 10000 : i32
    %mul3A_676 = vector.broadcast %mul3A_675 : i32 to vector<16xi32>
    %mul3A_677 = arith.muli %min3A_670, %mul3A_676 : vector<16xi32>
    %add3A_678 = arith.addi %add3A_674, %mul3A_677 : vector<16xi32>
    %swap3A_679 = arith.constant 64 : index
    %swap3A_680 = tpu.vector_load %arg7[%swap3A_679] {strides = array<i32>} : memref<128xi32, #tpu.memory_space<vmem>>, vector<16xi32>,
    tpu.vector_store %arg7[%swap3A_679], %add3A_678 {strides = array<i32>} : memref<128xi32, #tpu.memory_space<vmem>>, vector<16xi32>,
    %add3A_681 = arith.constant 624 : i32
    %add3A_682 = vector.broadcast %add3A_681 : i32 to vector<16xi32>
    %add3A_683 = arith.addi %mul3A_7, %add3A_682 : vector<16xi32>
    %gather3A_684 = tpu.vector_load_idx %arg5[%add3A_683] : memref<1536xf32, #tpu.memory_space<vmem>>[vector<16xi32>], vector<16xf32>,
    %max3A_685 = arith.constant 0.000000e+00 : f32
    %max3A_686 = vector.broadcast %max3A_685 : f32 to vector<16xf32>
    %max3A_687 = arith.maximumf %gather3A_684, %max3A_686 : vector<16xf32>
    %mul3A_688 = arith.constant 1.000000e+02 : f32
    %mul3A_689 = vector.broadcast %mul3A_688 : f32 to vector<16xf32>
    %mul3A_690 = arith.mulf %max3A_687, %mul3A_689 : vector<16xf32>
    %convert_element_type3A_691 = arith.fptosi %mul3A_690 : vector<16xf32> to vector<16xi32>
    %min3A_692 = arith.constant 99 : i32
    %min3A_693 = vector.broadcast %min3A_692 : i32 to vector<16xi32>
    %min3A_694 = arith.minsi %convert_element_type3A_691, %min3A_693 : vector<16xi32>
    %add3A_695 = arith.constant 625 : i32
    %add3A_696 = vector.broadcast %add3A_695 : i32 to vector<16xi32>
    %add3A_697 = arith.addi %mul3A_7, %add3A_696 : vector<16xi32>
    %gather3A_698 = tpu.vector_load_idx %arg5[%add3A_697] : memref<1536xf32, #tpu.memory_space<vmem>>[vector<16xi32>], vector<16xf32>,
    %max3A_699 = arith.constant 0.000000e+00 : f32
    %max3A_700 = vector.broadcast %max3A_699 : f32 to vector<16xf32>
    %max3A_701 = arith.maximumf %gather3A_698, %max3A_700 : vector<16xf32>
    %mul3A_702 = arith.constant 1.000000e+02 : f32
    %mul3A_703 = vector.broadcast %mul3A_702 : f32 to vector<16xf32>
    %mul3A_704 = arith.mulf %max3A_701, %mul3A_703 : vector<16xf32>
    %convert_element_type3A_705 = arith.fptosi %mul3A_704 : vector<16xf32> to vector<16xi32>
    %min3A_706 = arith.constant 99 : i32
    %min3A_707 = vector.broadcast %min3A_706 : i32 to vector<16xi32>
    %min3A_708 = arith.minsi %convert_element_type3A_705, %min3A_707 : vector<16xi32>
    %add3A_709 = arith.constant 626 : i32
    %add3A_710 = vector.broadcast %add3A_709 : i32 to vector<16xi32>
    %add3A_711 = arith.addi %mul3A_7, %add3A_710 : vector<16xi32>
    %gather3A_712 = tpu.vector_load_idx %arg5[%add3A_711] : memref<1536xf32, #tpu.memory_space<vmem>>[vector<16xi32>], vector<16xf32>,
    %max3A_713 = arith.constant 0.000000e+00 : f32
    %max3A_714 = vector.broadcast %max3A_713 : f32 to vector<16xf32>
    %max3A_715 = arith.maximumf %gather3A_712, %max3A_714 : vector<16xf32>
    %mul3A_716 = arith.constant 1.000000e+02 : f32
    %mul3A_717 = vector.broadcast %mul3A_716 : f32 to vector<16xf32>
    %mul3A_718 = arith.mulf %max3A_715, %mul3A_717 : vector<16xf32>
    %convert_element_type3A_719 = arith.fptosi %mul3A_718 : vector<16xf32> to vector<16xi32>
    %min3A_720 = arith.constant 99 : i32
    %min3A_721 = vector.broadcast %min3A_720 : i32 to vector<16xi32>
    %min3A_722 = arith.minsi %convert_element_type3A_719, %min3A_721 : vector<16xi32>
    %mul3A_723 = arith.constant 100 : i32
    %mul3A_724 = vector.broadcast %mul3A_723 : i32 to vector<16xi32>
    %mul3A_725 = arith.muli %min3A_708, %mul3A_724 : vector<16xi32>
    %add3A_726 = arith.addi %min3A_694, %mul3A_725 : vector<16xi32>
    %mul3A_727 = arith.constant 10000 : i32
    %mul3A_728 = vector.broadcast %mul3A_727 : i32 to vector<16xi32>
    %mul3A_729 = arith.muli %min3A_722, %mul3A_728 : vector<16xi32>
    %add3A_730 = arith.addi %add3A_726, %mul3A_729 : vector<16xi32>
    %swap3A_731 = arith.constant 80 : index
    %swap3A_732 = tpu.vector_load %arg7[%swap3A_731] {strides = array<i32>} : memref<128xi32, #tpu.memory_space<vmem>>, vector<16xi32>,
    tpu.vector_store %arg7[%swap3A_731], %add3A_730 {strides = array<i32>} : memref<128xi32, #tpu.memory_space<vmem>>, vector<16xi32>,
    %add3A_733 = arith.constant 672 : i32
    %add3A_734 = vector.broadcast %add3A_733 : i32 to vector<16xi32>
    %add3A_735 = arith.addi %mul3A_7, %add3A_734 : vector<16xi32>
    %gather3A_736 = tpu.vector_load_idx %arg5[%add3A_735] : memref<1536xf32, #tpu.memory_space<vmem>>[vector<16xi32>], vector<16xf32>,
    %max3A_737 = arith.constant 0.000000e+00 : f32
    %max3A_738 = vector.broadcast %max3A_737 : f32 to vector<16xf32>
    %max3A_739 = arith.maximumf %gather3A_736, %max3A_738 : vector<16xf32>
    %mul3A_740 = arith.constant 1.000000e+02 : f32
    %mul3A_741 = vector.broadcast %mul3A_740 : f32 to vector<16xf32>
    %mul3A_742 = arith.mulf %max3A_739, %mul3A_741 : vector<16xf32>
    %convert_element_type3A_743 = arith.fptosi %mul3A_742 : vector<16xf32> to vector<16xi32>
    %min3A_744 = arith.constant 99 : i32
    %min3A_745 = vector.broadcast %min3A_744 : i32 to vector<16xi32>
    %min3A_746 = arith.minsi %convert_element_type3A_743, %min3A_745 : vector<16xi32>
    %add3A_747 = arith.constant 673 : i32
    %add3A_748 = vector.broadcast %add3A_747 : i32 to vector<16xi32>
    %add3A_749 = arith.addi %mul3A_7, %add3A_748 : vector<16xi32>
    %gather3A_750 = tpu.vector_load_idx %arg5[%add3A_749] : memref<1536xf32, #tpu.memory_space<vmem>>[vector<16xi32>], vector<16xf32>,
    %max3A_751 = arith.constant 0.000000e+00 : f32
    %max3A_752 = vector.broadcast %max3A_751 : f32 to vector<16xf32>
    %max3A_753 = arith.maximumf %gather3A_750, %max3A_752 : vector<16xf32>
    %mul3A_754 = arith.constant 1.000000e+02 : f32
    %mul3A_755 = vector.broadcast %mul3A_754 : f32 to vector<16xf32>
    %mul3A_756 = arith.mulf %max3A_753, %mul3A_755 : vector<16xf32>
    %convert_element_type3A_757 = arith.fptosi %mul3A_756 : vector<16xf32> to vector<16xi32>
    %min3A_758 = arith.constant 99 : i32
    %min3A_759 = vector.broadcast %min3A_758 : i32 to vector<16xi32>
    %min3A_760 = arith.minsi %convert_element_type3A_757, %min3A_759 : vector<16xi32>
    %add3A_761 = arith.constant 674 : i32
    %add3A_762 = vector.broadcast %add3A_761 : i32 to vector<16xi32>
    %add3A_763 = arith.addi %mul3A_7, %add3A_762 : vector<16xi32>
    %gather3A_764 = tpu.vector_load_idx %arg5[%add3A_763] : memref<1536xf32, #tpu.memory_space<vmem>>[vector<16xi32>], vector<16xf32>,
    %max3A_765 = arith.constant 0.000000e+00 : f32
    %max3A_766 = vector.broadcast %max3A_765 : f32 to vector<16xf32>
    %max3A_767 = arith.maximumf %gather3A_764, %max3A_766 : vector<16xf32>
    %mul3A_768 = arith.constant 1.000000e+02 : f32
    %mul3A_769 = vector.broadcast %mul3A_768 : f32 to vector<16xf32>
    %mul3A_770 = arith.mulf %max3A_767, %mul3A_769 : vector<16xf32>
    %convert_element_type3A_771 = arith.fptosi %mul3A_770 : vector<16xf32> to vector<16xi32>
    %min3A_772 = arith.constant 99 : i32
    %min3A_773 = vector.broadcast %min3A_772 : i32 to vector<16xi32>
    %min3A_774 = arith.minsi %convert_element_type3A_771, %min3A_773 : vector<16xi32>
    %mul3A_775 = arith.constant 100 : i32
    %mul3A_776 = vector.broadcast %mul3A_775 : i32 to vector<16xi32>
    %mul3A_777 = arith.muli %min3A_760, %mul3A_776 : vector<16xi32>
    %add3A_778 = arith.addi %min3A_746, %mul3A_777 : vector<16xi32>
    %mul3A_779 = arith.constant 10000 : i32
    %mul3A_780 = vector.broadcast %mul3A_779 : i32 to vector<16xi32>
    %mul3A_781 = arith.muli %min3A_774, %mul3A_780 : vector<16xi32>
    %add3A_782 = arith.addi %add3A_778, %mul3A_781 : vector<16xi32>
    %swap3A_783 = arith.constant 96 : index
    %swap3A_784 = tpu.vector_load %arg7[%swap3A_783] {strides = array<i32>} : memref<128xi32, #tpu.memory_space<vmem>>, vector<16xi32>,
    tpu.vector_store %arg7[%swap3A_783], %add3A_782 {strides = array<i32>} : memref<128xi32, #tpu.memory_space<vmem>>, vector<16xi32>,
    %add3A_785 = arith.constant 720 : i32
    %add3A_786 = vector.broadcast %add3A_785 : i32 to vector<16xi32>
    %add3A_787 = arith.addi %mul3A_7, %add3A_786 : vector<16xi32>
    %gather3A_788 = tpu.vector_load_idx %arg5[%add3A_787] : memref<1536xf32, #tpu.memory_space<vmem>>[vector<16xi32>], vector<16xf32>,
    %max3A_789 = arith.constant 0.000000e+00 : f32
    %max3A_790 = vector.broadcast %max3A_789 : f32 to vector<16xf32>
    %max3A_791 = arith.maximumf %gather3A_788, %max3A_790 : vector<16xf32>
    %mul3A_792 = arith.constant 1.000000e+02 : f32
    %mul3A_793 = vector.broadcast %mul3A_792 : f32 to vector<16xf32>
    %mul3A_794 = arith.mulf %max3A_791, %mul3A_793 : vector<16xf32>
    %convert_element_type3A_795 = arith.fptosi %mul3A_794 : vector<16xf32> to vector<16xi32>
    %min3A_796 = arith.constant 99 : i32
    %min3A_797 = vector.broadcast %min3A_796 : i32 to vector<16xi32>
    %min3A_798 = arith.minsi %convert_element_type3A_795, %min3A_797 : vector<16xi32>
    %add3A_799 = arith.constant 721 : i32
    %add3A_800 = vector.broadcast %add3A_799 : i32 to vector<16xi32>
    %add3A_801 = arith.addi %mul3A_7, %add3A_800 : vector<16xi32>
    %gather3A_802 = tpu.vector_load_idx %arg5[%add3A_801] : memref<1536xf32, #tpu.memory_space<vmem>>[vector<16xi32>], vector<16xf32>,
    %max3A_803 = arith.constant 0.000000e+00 : f32
    %max3A_804 = vector.broadcast %max3A_803 : f32 to vector<16xf32>
    %max3A_805 = arith.maximumf %gather3A_802, %max3A_804 : vector<16xf32>
    %mul3A_806 = arith.constant 1.000000e+02 : f32
    %mul3A_807 = vector.broadcast %mul3A_806 : f32 to vector<16xf32>
    %mul3A_808 = arith.mulf %max3A_805, %mul3A_807 : vector<16xf32>
    %convert_element_type3A_809 = arith.fptosi %mul3A_808 : vector<16xf32> to vector<16xi32>
    %min3A_810 = arith.constant 99 : i32
    %min3A_811 = vector.broadcast %min3A_810 : i32 to vector<16xi32>
    %min3A_812 = arith.minsi %convert_element_type3A_809, %min3A_811 : vector<16xi32>
    %add3A_813 = arith.constant 722 : i32
    %add3A_814 = vector.broadcast %add3A_813 : i32 to vector<16xi32>
    %add3A_815 = arith.addi %mul3A_7, %add3A_814 : vector<16xi32>
    %gather3A_816 = tpu.vector_load_idx %arg5[%add3A_815] : memref<1536xf32, #tpu.memory_space<vmem>>[vector<16xi32>], vector<16xf32>,
    %max3A_817 = arith.constant 0.000000e+00 : f32
    %max3A_818 = vector.broadcast %max3A_817 : f32 to vector<16xf32>
    %max3A_819 = arith.maximumf %gather3A_816, %max3A_818 : vector<16xf32>
    %mul3A_820 = arith.constant 1.000000e+02 : f32
    %mul3A_821 = vector.broadcast %mul3A_820 : f32 to vector<16xf32>
    %mul3A_822 = arith.mulf %max3A_819, %mul3A_821 : vector<16xf32>
    %convert_element_type3A_823 = arith.fptosi %mul3A_822 : vector<16xf32> to vector<16xi32>
    %min3A_824 = arith.constant 99 : i32
    %min3A_825 = vector.broadcast %min3A_824 : i32 to vector<16xi32>
    %min3A_826 = arith.minsi %convert_element_type3A_823, %min3A_825 : vector<16xi32>
    %mul3A_827 = arith.constant 100 : i32
    %mul3A_828 = vector.broadcast %mul3A_827 : i32 to vector<16xi32>
    %mul3A_829 = arith.muli %min3A_812, %mul3A_828 : vector<16xi32>
    %add3A_830 = arith.addi %min3A_798, %mul3A_829 : vector<16xi32>
    %mul3A_831 = arith.constant 10000 : i32
    %mul3A_832 = vector.broadcast %mul3A_831 : i32 to vector<16xi32>
    %mul3A_833 = arith.muli %min3A_826, %mul3A_832 : vector<16xi32>
    %add3A_834 = arith.addi %add3A_830, %mul3A_833 : vector<16xi32>
    %swap3A_835 = arith.constant 112 : index
    %swap3A_836 = tpu.vector_load %arg7[%swap3A_835] {strides = array<i32>} : memref<128xi32, #tpu.memory_space<vmem>>, vector<16xi32>,
    tpu.vector_store %arg7[%swap3A_835], %add3A_834 {strides = array<i32>} : memref<128xi32, #tpu.memory_space<vmem>>, vector<16xi32>,
    %dma_start3A_837 = arith.constant 0 : i32
    %dma_start3A_838 = arith.constant 0 : i32
    %dma_start3A_839 = tpu.memref_slice %arg3[%dma_start3A_837, %dma_start3A_838] : memref<1000001x16xf32, #tpu.memory_space<hbm>> -> memref<1000001x16xf32, #tpu.memory_space<hbm>>
    tpu.enqueue_indirect_dma source(%dma_start3A_839 : memref<1000001x16xf32, #tpu.memory_space<hbm>>) target(%arg11 : memref<128x16xf32, #tpu.memory_space<vmem>>) offsets(%arg7 : memref<128xi32, #tpu.memory_space<vmem>>) semaphore(%arg14 : memref<!tpu.dma_semaphore, #tpu.memory_space<semaphore_mem>>)
    %add3A_840 = arith.constant 768 : i32
    %add3A_841 = vector.broadcast %add3A_840 : i32 to vector<16xi32>
    %add3A_842 = arith.addi %mul3A_7, %add3A_841 : vector<16xi32>
    %gather3A_843 = tpu.vector_load_idx %arg5[%add3A_842] : memref<1536xf32, #tpu.memory_space<vmem>>[vector<16xi32>], vector<16xf32>,
    %max3A_844 = arith.constant 0.000000e+00 : f32
    %max3A_845 = vector.broadcast %max3A_844 : f32 to vector<16xf32>
    %max3A_846 = arith.maximumf %gather3A_843, %max3A_845 : vector<16xf32>
    %mul3A_847 = arith.constant 1.000000e+02 : f32
    %mul3A_848 = vector.broadcast %mul3A_847 : f32 to vector<16xf32>
    %mul3A_849 = arith.mulf %max3A_846, %mul3A_848 : vector<16xf32>
    %convert_element_type3A_850 = arith.fptosi %mul3A_849 : vector<16xf32> to vector<16xi32>
    %min3A_851 = arith.constant 99 : i32
    %min3A_852 = vector.broadcast %min3A_851 : i32 to vector<16xi32>
    %min3A_853 = arith.minsi %convert_element_type3A_850, %min3A_852 : vector<16xi32>
    %add3A_854 = arith.constant 769 : i32
    %add3A_855 = vector.broadcast %add3A_854 : i32 to vector<16xi32>
    %add3A_856 = arith.addi %mul3A_7, %add3A_855 : vector<16xi32>
    %gather3A_857 = tpu.vector_load_idx %arg5[%add3A_856] : memref<1536xf32, #tpu.memory_space<vmem>>[vector<16xi32>], vector<16xf32>,
    %max3A_858 = arith.constant 0.000000e+00 : f32
    %max3A_859 = vector.broadcast %max3A_858 : f32 to vector<16xf32>
    %max3A_860 = arith.maximumf %gather3A_857, %max3A_859 : vector<16xf32>
    %mul3A_861 = arith.constant 1.000000e+02 : f32
    %mul3A_862 = vector.broadcast %mul3A_861 : f32 to vector<16xf32>
    %mul3A_863 = arith.mulf %max3A_860, %mul3A_862 : vector<16xf32>
    %convert_element_type3A_864 = arith.fptosi %mul3A_863 : vector<16xf32> to vector<16xi32>
    %min3A_865 = arith.constant 99 : i32
    %min3A_866 = vector.broadcast %min3A_865 : i32 to vector<16xi32>
    %min3A_867 = arith.minsi %convert_element_type3A_864, %min3A_866 : vector<16xi32>
    %add3A_868 = arith.constant 770 : i32
    %add3A_869 = vector.broadcast %add3A_868 : i32 to vector<16xi32>
    %add3A_870 = arith.addi %mul3A_7, %add3A_869 : vector<16xi32>
    %gather3A_871 = tpu.vector_load_idx %arg5[%add3A_870] : memref<1536xf32, #tpu.memory_space<vmem>>[vector<16xi32>], vector<16xf32>,
    %max3A_872 = arith.constant 0.000000e+00 : f32
    %max3A_873 = vector.broadcast %max3A_872 : f32 to vector<16xf32>
    %max3A_874 = arith.maximumf %gather3A_871, %max3A_873 : vector<16xf32>
    %mul3A_875 = arith.constant 1.000000e+02 : f32
    %mul3A_876 = vector.broadcast %mul3A_875 : f32 to vector<16xf32>
    %mul3A_877 = arith.mulf %max3A_874, %mul3A_876 : vector<16xf32>
    %convert_element_type3A_878 = arith.fptosi %mul3A_877 : vector<16xf32> to vector<16xi32>
    %min3A_879 = arith.constant 99 : i32
    %min3A_880 = vector.broadcast %min3A_879 : i32 to vector<16xi32>
    %min3A_881 = arith.minsi %convert_element_type3A_878, %min3A_880 : vector<16xi32>
    %mul3A_882 = arith.constant 100 : i32
    %mul3A_883 = vector.broadcast %mul3A_882 : i32 to vector<16xi32>
    %mul3A_884 = arith.muli %min3A_867, %mul3A_883 : vector<16xi32>
    %add3A_885 = arith.addi %min3A_853, %mul3A_884 : vector<16xi32>
    %mul3A_886 = arith.constant 10000 : i32
    %mul3A_887 = vector.broadcast %mul3A_886 : i32 to vector<16xi32>
    %mul3A_888 = arith.muli %min3A_881, %mul3A_887 : vector<16xi32>
    %add3A_889 = arith.addi %add3A_885, %mul3A_888 : vector<16xi32>
    %swap3A_890 = arith.constant 0 : index
    %swap3A_891 = tpu.vector_load %arg8[%swap3A_890] {strides = array<i32>} : memref<128xi32, #tpu.memory_space<vmem>>, vector<16xi32>,
    tpu.vector_store %arg8[%swap3A_890], %add3A_889 {strides = array<i32>} : memref<128xi32, #tpu.memory_space<vmem>>, vector<16xi32>,
    %add3A_892 = arith.constant 816 : i32
    %add3A_893 = vector.broadcast %add3A_892 : i32 to vector<16xi32>
    %add3A_894 = arith.addi %mul3A_7, %add3A_893 : vector<16xi32>
    %gather3A_895 = tpu.vector_load_idx %arg5[%add3A_894] : memref<1536xf32, #tpu.memory_space<vmem>>[vector<16xi32>], vector<16xf32>,
    %max3A_896 = arith.constant 0.000000e+00 : f32
    %max3A_897 = vector.broadcast %max3A_896 : f32 to vector<16xf32>
    %max3A_898 = arith.maximumf %gather3A_895, %max3A_897 : vector<16xf32>
    %mul3A_899 = arith.constant 1.000000e+02 : f32
    %mul3A_900 = vector.broadcast %mul3A_899 : f32 to vector<16xf32>
    %mul3A_901 = arith.mulf %max3A_898, %mul3A_900 : vector<16xf32>
    %convert_element_type3A_902 = arith.fptosi %mul3A_901 : vector<16xf32> to vector<16xi32>
    %min3A_903 = arith.constant 99 : i32
    %min3A_904 = vector.broadcast %min3A_903 : i32 to vector<16xi32>
    %min3A_905 = arith.minsi %convert_element_type3A_902, %min3A_904 : vector<16xi32>
    %add3A_906 = arith.constant 817 : i32
    %add3A_907 = vector.broadcast %add3A_906 : i32 to vector<16xi32>
    %add3A_908 = arith.addi %mul3A_7, %add3A_907 : vector<16xi32>
    %gather3A_909 = tpu.vector_load_idx %arg5[%add3A_908] : memref<1536xf32, #tpu.memory_space<vmem>>[vector<16xi32>], vector<16xf32>,
    %max3A_910 = arith.constant 0.000000e+00 : f32
    %max3A_911 = vector.broadcast %max3A_910 : f32 to vector<16xf32>
    %max3A_912 = arith.maximumf %gather3A_909, %max3A_911 : vector<16xf32>
    %mul3A_913 = arith.constant 1.000000e+02 : f32
    %mul3A_914 = vector.broadcast %mul3A_913 : f32 to vector<16xf32>
    %mul3A_915 = arith.mulf %max3A_912, %mul3A_914 : vector<16xf32>
    %convert_element_type3A_916 = arith.fptosi %mul3A_915 : vector<16xf32> to vector<16xi32>
    %min3A_917 = arith.constant 99 : i32
    %min3A_918 = vector.broadcast %min3A_917 : i32 to vector<16xi32>
    %min3A_919 = arith.minsi %convert_element_type3A_916, %min3A_918 : vector<16xi32>
    %add3A_920 = arith.constant 818 : i32
    %add3A_921 = vector.broadcast %add3A_920 : i32 to vector<16xi32>
    %add3A_922 = arith.addi %mul3A_7, %add3A_921 : vector<16xi32>
    %gather3A_923 = tpu.vector_load_idx %arg5[%add3A_922] : memref<1536xf32, #tpu.memory_space<vmem>>[vector<16xi32>], vector<16xf32>,
    %max3A_924 = arith.constant 0.000000e+00 : f32
    %max3A_925 = vector.broadcast %max3A_924 : f32 to vector<16xf32>
    %max3A_926 = arith.maximumf %gather3A_923, %max3A_925 : vector<16xf32>
    %mul3A_927 = arith.constant 1.000000e+02 : f32
    %mul3A_928 = vector.broadcast %mul3A_927 : f32 to vector<16xf32>
    %mul3A_929 = arith.mulf %max3A_926, %mul3A_928 : vector<16xf32>
    %convert_element_type3A_930 = arith.fptosi %mul3A_929 : vector<16xf32> to vector<16xi32>
    %min3A_931 = arith.constant 99 : i32
    %min3A_932 = vector.broadcast %min3A_931 : i32 to vector<16xi32>
    %min3A_933 = arith.minsi %convert_element_type3A_930, %min3A_932 : vector<16xi32>
    %mul3A_934 = arith.constant 100 : i32
    %mul3A_935 = vector.broadcast %mul3A_934 : i32 to vector<16xi32>
    %mul3A_936 = arith.muli %min3A_919, %mul3A_935 : vector<16xi32>
    %add3A_937 = arith.addi %min3A_905, %mul3A_936 : vector<16xi32>
    %mul3A_938 = arith.constant 10000 : i32
    %mul3A_939 = vector.broadcast %mul3A_938 : i32 to vector<16xi32>
    %mul3A_940 = arith.muli %min3A_933, %mul3A_939 : vector<16xi32>
    %add3A_941 = arith.addi %add3A_937, %mul3A_940 : vector<16xi32>
    %swap3A_942 = arith.constant 16 : index
    %swap3A_943 = tpu.vector_load %arg8[%swap3A_942] {strides = array<i32>} : memref<128xi32, #tpu.memory_space<vmem>>, vector<16xi32>,
    tpu.vector_store %arg8[%swap3A_942], %add3A_941 {strides = array<i32>} : memref<128xi32, #tpu.memory_space<vmem>>, vector<16xi32>,
    %add3A_944 = arith.constant 864 : i32
    %add3A_945 = vector.broadcast %add3A_944 : i32 to vector<16xi32>
    %add3A_946 = arith.addi %mul3A_7, %add3A_945 : vector<16xi32>
    %gather3A_947 = tpu.vector_load_idx %arg5[%add3A_946] : memref<1536xf32, #tpu.memory_space<vmem>>[vector<16xi32>], vector<16xf32>,
    %max3A_948 = arith.constant 0.000000e+00 : f32
    %max3A_949 = vector.broadcast %max3A_948 : f32 to vector<16xf32>
    %max3A_950 = arith.maximumf %gather3A_947, %max3A_949 : vector<16xf32>
    %mul3A_951 = arith.constant 1.000000e+02 : f32
    %mul3A_952 = vector.broadcast %mul3A_951 : f32 to vector<16xf32>
    %mul3A_953 = arith.mulf %max3A_950, %mul3A_952 : vector<16xf32>
    %convert_element_type3A_954 = arith.fptosi %mul3A_953 : vector<16xf32> to vector<16xi32>
    %min3A_955 = arith.constant 99 : i32
    %min3A_956 = vector.broadcast %min3A_955 : i32 to vector<16xi32>
    %min3A_957 = arith.minsi %convert_element_type3A_954, %min3A_956 : vector<16xi32>
    %add3A_958 = arith.constant 865 : i32
    %add3A_959 = vector.broadcast %add3A_958 : i32 to vector<16xi32>
    %add3A_960 = arith.addi %mul3A_7, %add3A_959 : vector<16xi32>
    %gather3A_961 = tpu.vector_load_idx %arg5[%add3A_960] : memref<1536xf32, #tpu.memory_space<vmem>>[vector<16xi32>], vector<16xf32>,
    %max3A_962 = arith.constant 0.000000e+00 : f32
    %max3A_963 = vector.broadcast %max3A_962 : f32 to vector<16xf32>
    %max3A_964 = arith.maximumf %gather3A_961, %max3A_963 : vector<16xf32>
    %mul3A_965 = arith.constant 1.000000e+02 : f32
    %mul3A_966 = vector.broadcast %mul3A_965 : f32 to vector<16xf32>
    %mul3A_967 = arith.mulf %max3A_964, %mul3A_966 : vector<16xf32>
    %convert_element_type3A_968 = arith.fptosi %mul3A_967 : vector<16xf32> to vector<16xi32>
    %min3A_969 = arith.constant 99 : i32
    %min3A_970 = vector.broadcast %min3A_969 : i32 to vector<16xi32>
    %min3A_971 = arith.minsi %convert_element_type3A_968, %min3A_970 : vector<16xi32>
    %add3A_972 = arith.constant 866 : i32
    %add3A_973 = vector.broadcast %add3A_972 : i32 to vector<16xi32>
    %add3A_974 = arith.addi %mul3A_7, %add3A_973 : vector<16xi32>
    %gather3A_975 = tpu.vector_load_idx %arg5[%add3A_974] : memref<1536xf32, #tpu.memory_space<vmem>>[vector<16xi32>], vector<16xf32>,
    %max3A_976 = arith.constant 0.000000e+00 : f32
    %max3A_977 = vector.broadcast %max3A_976 : f32 to vector<16xf32>
    %max3A_978 = arith.maximumf %gather3A_975, %max3A_977 : vector<16xf32>
    %mul3A_979 = arith.constant 1.000000e+02 : f32
    %mul3A_980 = vector.broadcast %mul3A_979 : f32 to vector<16xf32>
    %mul3A_981 = arith.mulf %max3A_978, %mul3A_980 : vector<16xf32>
    %convert_element_type3A_982 = arith.fptosi %mul3A_981 : vector<16xf32> to vector<16xi32>
    %min3A_983 = arith.constant 99 : i32
    %min3A_984 = vector.broadcast %min3A_983 : i32 to vector<16xi32>
    %min3A_985 = arith.minsi %convert_element_type3A_982, %min3A_984 : vector<16xi32>
    %mul3A_986 = arith.constant 100 : i32
    %mul3A_987 = vector.broadcast %mul3A_986 : i32 to vector<16xi32>
    %mul3A_988 = arith.muli %min3A_971, %mul3A_987 : vector<16xi32>
    %add3A_989 = arith.addi %min3A_957, %mul3A_988 : vector<16xi32>
    %mul3A_990 = arith.constant 10000 : i32
    %mul3A_991 = vector.broadcast %mul3A_990 : i32 to vector<16xi32>
    %mul3A_992 = arith.muli %min3A_985, %mul3A_991 : vector<16xi32>
    %add3A_993 = arith.addi %add3A_989, %mul3A_992 : vector<16xi32>
    %swap3A_994 = arith.constant 32 : index
    %swap3A_995 = tpu.vector_load %arg8[%swap3A_994] {strides = array<i32>} : memref<128xi32, #tpu.memory_space<vmem>>, vector<16xi32>,
    tpu.vector_store %arg8[%swap3A_994], %add3A_993 {strides = array<i32>} : memref<128xi32, #tpu.memory_space<vmem>>, vector<16xi32>,
    %add3A_996 = arith.constant 912 : i32
    %add3A_997 = vector.broadcast %add3A_996 : i32 to vector<16xi32>
    %add3A_998 = arith.addi %mul3A_7, %add3A_997 : vector<16xi32>
    %gather3A_999 = tpu.vector_load_idx %arg5[%add3A_998] : memref<1536xf32, #tpu.memory_space<vmem>>[vector<16xi32>], vector<16xf32>,
    %max3A_1000 = arith.constant 0.000000e+00 : f32
    %max3A_1001 = vector.broadcast %max3A_1000 : f32 to vector<16xf32>
    %max3A_1002 = arith.maximumf %gather3A_999, %max3A_1001 : vector<16xf32>
    %mul3A_1003 = arith.constant 1.000000e+02 : f32
    %mul3A_1004 = vector.broadcast %mul3A_1003 : f32 to vector<16xf32>
    %mul3A_1005 = arith.mulf %max3A_1002, %mul3A_1004 : vector<16xf32>
    %convert_element_type3A_1006 = arith.fptosi %mul3A_1005 : vector<16xf32> to vector<16xi32>
    %min3A_1007 = arith.constant 99 : i32
    %min3A_1008 = vector.broadcast %min3A_1007 : i32 to vector<16xi32>
    %min3A_1009 = arith.minsi %convert_element_type3A_1006, %min3A_1008 : vector<16xi32>
    %add3A_1010 = arith.constant 913 : i32
    %add3A_1011 = vector.broadcast %add3A_1010 : i32 to vector<16xi32>
    %add3A_1012 = arith.addi %mul3A_7, %add3A_1011 : vector<16xi32>
    %gather3A_1013 = tpu.vector_load_idx %arg5[%add3A_1012] : memref<1536xf32, #tpu.memory_space<vmem>>[vector<16xi32>], vector<16xf32>,
    %max3A_1014 = arith.constant 0.000000e+00 : f32
    %max3A_1015 = vector.broadcast %max3A_1014 : f32 to vector<16xf32>
    %max3A_1016 = arith.maximumf %gather3A_1013, %max3A_1015 : vector<16xf32>
    %mul3A_1017 = arith.constant 1.000000e+02 : f32
    %mul3A_1018 = vector.broadcast %mul3A_1017 : f32 to vector<16xf32>
    %mul3A_1019 = arith.mulf %max3A_1016, %mul3A_1018 : vector<16xf32>
    %convert_element_type3A_1020 = arith.fptosi %mul3A_1019 : vector<16xf32> to vector<16xi32>
    %min3A_1021 = arith.constant 99 : i32
    %min3A_1022 = vector.broadcast %min3A_1021 : i32 to vector<16xi32>
    %min3A_1023 = arith.minsi %convert_element_type3A_1020, %min3A_1022 : vector<16xi32>
    %add3A_1024 = arith.constant 914 : i32
    %add3A_1025 = vector.broadcast %add3A_1024 : i32 to vector<16xi32>
    %add3A_1026 = arith.addi %mul3A_7, %add3A_1025 : vector<16xi32>
    %gather3A_1027 = tpu.vector_load_idx %arg5[%add3A_1026] : memref<1536xf32, #tpu.memory_space<vmem>>[vector<16xi32>], vector<16xf32>,
    %max3A_1028 = arith.constant 0.000000e+00 : f32
    %max3A_1029 = vector.broadcast %max3A_1028 : f32 to vector<16xf32>
    %max3A_1030 = arith.maximumf %gather3A_1027, %max3A_1029 : vector<16xf32>
    %mul3A_1031 = arith.constant 1.000000e+02 : f32
    %mul3A_1032 = vector.broadcast %mul3A_1031 : f32 to vector<16xf32>
    %mul3A_1033 = arith.mulf %max3A_1030, %mul3A_1032 : vector<16xf32>
    %convert_element_type3A_1034 = arith.fptosi %mul3A_1033 : vector<16xf32> to vector<16xi32>
    %min3A_1035 = arith.constant 99 : i32
    %min3A_1036 = vector.broadcast %min3A_1035 : i32 to vector<16xi32>
    %min3A_1037 = arith.minsi %convert_element_type3A_1034, %min3A_1036 : vector<16xi32>
    %mul3A_1038 = arith.constant 100 : i32
    %mul3A_1039 = vector.broadcast %mul3A_1038 : i32 to vector<16xi32>
    %mul3A_1040 = arith.muli %min3A_1023, %mul3A_1039 : vector<16xi32>
    %add3A_1041 = arith.addi %min3A_1009, %mul3A_1040 : vector<16xi32>
    %mul3A_1042 = arith.constant 10000 : i32
    %mul3A_1043 = vector.broadcast %mul3A_1042 : i32 to vector<16xi32>
    %mul3A_1044 = arith.muli %min3A_1037, %mul3A_1043 : vector<16xi32>
    %add3A_1045 = arith.addi %add3A_1041, %mul3A_1044 : vector<16xi32>
    %swap3A_1046 = arith.constant 48 : index
    %swap3A_1047 = tpu.vector_load %arg8[%swap3A_1046] {strides = array<i32>} : memref<128xi32, #tpu.memory_space<vmem>>, vector<16xi32>,
    tpu.vector_store %arg8[%swap3A_1046], %add3A_1045 {strides = array<i32>} : memref<128xi32, #tpu.memory_space<vmem>>, vector<16xi32>,
    %add3A_1048 = arith.constant 960 : i32
    %add3A_1049 = vector.broadcast %add3A_1048 : i32 to vector<16xi32>
    %add3A_1050 = arith.addi %mul3A_7, %add3A_1049 : vector<16xi32>
    %gather3A_1051 = tpu.vector_load_idx %arg5[%add3A_1050] : memref<1536xf32, #tpu.memory_space<vmem>>[vector<16xi32>], vector<16xf32>,
    %max3A_1052 = arith.constant 0.000000e+00 : f32
    %max3A_1053 = vector.broadcast %max3A_1052 : f32 to vector<16xf32>
    %max3A_1054 = arith.maximumf %gather3A_1051, %max3A_1053 : vector<16xf32>
    %mul3A_1055 = arith.constant 1.000000e+02 : f32
    %mul3A_1056 = vector.broadcast %mul3A_1055 : f32 to vector<16xf32>
    %mul3A_1057 = arith.mulf %max3A_1054, %mul3A_1056 : vector<16xf32>
    %convert_element_type3A_1058 = arith.fptosi %mul3A_1057 : vector<16xf32> to vector<16xi32>
    %min3A_1059 = arith.constant 99 : i32
    %min3A_1060 = vector.broadcast %min3A_1059 : i32 to vector<16xi32>
    %min3A_1061 = arith.minsi %convert_element_type3A_1058, %min3A_1060 : vector<16xi32>
    %add3A_1062 = arith.constant 961 : i32
    %add3A_1063 = vector.broadcast %add3A_1062 : i32 to vector<16xi32>
    %add3A_1064 = arith.addi %mul3A_7, %add3A_1063 : vector<16xi32>
    %gather3A_1065 = tpu.vector_load_idx %arg5[%add3A_1064] : memref<1536xf32, #tpu.memory_space<vmem>>[vector<16xi32>], vector<16xf32>,
    %max3A_1066 = arith.constant 0.000000e+00 : f32
    %max3A_1067 = vector.broadcast %max3A_1066 : f32 to vector<16xf32>
    %max3A_1068 = arith.maximumf %gather3A_1065, %max3A_1067 : vector<16xf32>
    %mul3A_1069 = arith.constant 1.000000e+02 : f32
    %mul3A_1070 = vector.broadcast %mul3A_1069 : f32 to vector<16xf32>
    %mul3A_1071 = arith.mulf %max3A_1068, %mul3A_1070 : vector<16xf32>
    %convert_element_type3A_1072 = arith.fptosi %mul3A_1071 : vector<16xf32> to vector<16xi32>
    %min3A_1073 = arith.constant 99 : i32
    %min3A_1074 = vector.broadcast %min3A_1073 : i32 to vector<16xi32>
    %min3A_1075 = arith.minsi %convert_element_type3A_1072, %min3A_1074 : vector<16xi32>
    %add3A_1076 = arith.constant 962 : i32
    %add3A_1077 = vector.broadcast %add3A_1076 : i32 to vector<16xi32>
    %add3A_1078 = arith.addi %mul3A_7, %add3A_1077 : vector<16xi32>
    %gather3A_1079 = tpu.vector_load_idx %arg5[%add3A_1078] : memref<1536xf32, #tpu.memory_space<vmem>>[vector<16xi32>], vector<16xf32>,
    %max3A_1080 = arith.constant 0.000000e+00 : f32
    %max3A_1081 = vector.broadcast %max3A_1080 : f32 to vector<16xf32>
    %max3A_1082 = arith.maximumf %gather3A_1079, %max3A_1081 : vector<16xf32>
    %mul3A_1083 = arith.constant 1.000000e+02 : f32
    %mul3A_1084 = vector.broadcast %mul3A_1083 : f32 to vector<16xf32>
    %mul3A_1085 = arith.mulf %max3A_1082, %mul3A_1084 : vector<16xf32>
    %convert_element_type3A_1086 = arith.fptosi %mul3A_1085 : vector<16xf32> to vector<16xi32>
    %min3A_1087 = arith.constant 99 : i32
    %min3A_1088 = vector.broadcast %min3A_1087 : i32 to vector<16xi32>
    %min3A_1089 = arith.minsi %convert_element_type3A_1086, %min3A_1088 : vector<16xi32>
    %mul3A_1090 = arith.constant 100 : i32
    %mul3A_1091 = vector.broadcast %mul3A_1090 : i32 to vector<16xi32>
    %mul3A_1092 = arith.muli %min3A_1075, %mul3A_1091 : vector<16xi32>
    %add3A_1093 = arith.addi %min3A_1061, %mul3A_1092 : vector<16xi32>
    %mul3A_1094 = arith.constant 10000 : i32
    %mul3A_1095 = vector.broadcast %mul3A_1094 : i32 to vector<16xi32>
    %mul3A_1096 = arith.muli %min3A_1089, %mul3A_1095 : vector<16xi32>
    %add3A_1097 = arith.addi %add3A_1093, %mul3A_1096 : vector<16xi32>
    %swap3A_1098 = arith.constant 64 : index
    %swap3A_1099 = tpu.vector_load %arg8[%swap3A_1098] {strides = array<i32>} : memref<128xi32, #tpu.memory_space<vmem>>, vector<16xi32>,
    tpu.vector_store %arg8[%swap3A_1098], %add3A_1097 {strides = array<i32>} : memref<128xi32, #tpu.memory_space<vmem>>, vector<16xi32>,
    %add3A_1100 = arith.constant 1008 : i32
    %add3A_1101 = vector.broadcast %add3A_1100 : i32 to vector<16xi32>
    %add3A_1102 = arith.addi %mul3A_7, %add3A_1101 : vector<16xi32>
    %gather3A_1103 = tpu.vector_load_idx %arg5[%add3A_1102] : memref<1536xf32, #tpu.memory_space<vmem>>[vector<16xi32>], vector<16xf32>,
    %max3A_1104 = arith.constant 0.000000e+00 : f32
    %max3A_1105 = vector.broadcast %max3A_1104 : f32 to vector<16xf32>
    %max3A_1106 = arith.maximumf %gather3A_1103, %max3A_1105 : vector<16xf32>
    %mul3A_1107 = arith.constant 1.000000e+02 : f32
    %mul3A_1108 = vector.broadcast %mul3A_1107 : f32 to vector<16xf32>
    %mul3A_1109 = arith.mulf %max3A_1106, %mul3A_1108 : vector<16xf32>
    %convert_element_type3A_1110 = arith.fptosi %mul3A_1109 : vector<16xf32> to vector<16xi32>
    %min3A_1111 = arith.constant 99 : i32
    %min3A_1112 = vector.broadcast %min3A_1111 : i32 to vector<16xi32>
    %min3A_1113 = arith.minsi %convert_element_type3A_1110, %min3A_1112 : vector<16xi32>
    %add3A_1114 = arith.constant 1009 : i32
    %add3A_1115 = vector.broadcast %add3A_1114 : i32 to vector<16xi32>
    %add3A_1116 = arith.addi %mul3A_7, %add3A_1115 : vector<16xi32>
    %gather3A_1117 = tpu.vector_load_idx %arg5[%add3A_1116] : memref<1536xf32, #tpu.memory_space<vmem>>[vector<16xi32>], vector<16xf32>,
    %max3A_1118 = arith.constant 0.000000e+00 : f32
    %max3A_1119 = vector.broadcast %max3A_1118 : f32 to vector<16xf32>
    %max3A_1120 = arith.maximumf %gather3A_1117, %max3A_1119 : vector<16xf32>
    %mul3A_1121 = arith.constant 1.000000e+02 : f32
    %mul3A_1122 = vector.broadcast %mul3A_1121 : f32 to vector<16xf32>
    %mul3A_1123 = arith.mulf %max3A_1120, %mul3A_1122 : vector<16xf32>
    %convert_element_type3A_1124 = arith.fptosi %mul3A_1123 : vector<16xf32> to vector<16xi32>
    %min3A_1125 = arith.constant 99 : i32
    %min3A_1126 = vector.broadcast %min3A_1125 : i32 to vector<16xi32>
    %min3A_1127 = arith.minsi %convert_element_type3A_1124, %min3A_1126 : vector<16xi32>
    %add3A_1128 = arith.constant 1010 : i32
    %add3A_1129 = vector.broadcast %add3A_1128 : i32 to vector<16xi32>
    %add3A_1130 = arith.addi %mul3A_7, %add3A_1129 : vector<16xi32>
    %gather3A_1131 = tpu.vector_load_idx %arg5[%add3A_1130] : memref<1536xf32, #tpu.memory_space<vmem>>[vector<16xi32>], vector<16xf32>,
    %max3A_1132 = arith.constant 0.000000e+00 : f32
    %max3A_1133 = vector.broadcast %max3A_1132 : f32 to vector<16xf32>
    %max3A_1134 = arith.maximumf %gather3A_1131, %max3A_1133 : vector<16xf32>
    %mul3A_1135 = arith.constant 1.000000e+02 : f32
    %mul3A_1136 = vector.broadcast %mul3A_1135 : f32 to vector<16xf32>
    %mul3A_1137 = arith.mulf %max3A_1134, %mul3A_1136 : vector<16xf32>
    %convert_element_type3A_1138 = arith.fptosi %mul3A_1137 : vector<16xf32> to vector<16xi32>
    %min3A_1139 = arith.constant 99 : i32
    %min3A_1140 = vector.broadcast %min3A_1139 : i32 to vector<16xi32>
    %min3A_1141 = arith.minsi %convert_element_type3A_1138, %min3A_1140 : vector<16xi32>
    %mul3A_1142 = arith.constant 100 : i32
    %mul3A_1143 = vector.broadcast %mul3A_1142 : i32 to vector<16xi32>
    %mul3A_1144 = arith.muli %min3A_1127, %mul3A_1143 : vector<16xi32>
    %add3A_1145 = arith.addi %min3A_1113, %mul3A_1144 : vector<16xi32>
    %mul3A_1146 = arith.constant 10000 : i32
    %mul3A_1147 = vector.broadcast %mul3A_1146 : i32 to vector<16xi32>
    %mul3A_1148 = arith.muli %min3A_1141, %mul3A_1147 : vector<16xi32>
    %add3A_1149 = arith.addi %add3A_1145, %mul3A_1148 : vector<16xi32>
    %swap3A_1150 = arith.constant 80 : index
    %swap3A_1151 = tpu.vector_load %arg8[%swap3A_1150] {strides = array<i32>} : memref<128xi32, #tpu.memory_space<vmem>>, vector<16xi32>,
    tpu.vector_store %arg8[%swap3A_1150], %add3A_1149 {strides = array<i32>} : memref<128xi32, #tpu.memory_space<vmem>>, vector<16xi32>,
    %add3A_1152 = arith.constant 1056 : i32
    %add3A_1153 = vector.broadcast %add3A_1152 : i32 to vector<16xi32>
    %add3A_1154 = arith.addi %mul3A_7, %add3A_1153 : vector<16xi32>
    %gather3A_1155 = tpu.vector_load_idx %arg5[%add3A_1154] : memref<1536xf32, #tpu.memory_space<vmem>>[vector<16xi32>], vector<16xf32>,
    %max3A_1156 = arith.constant 0.000000e+00 : f32
    %max3A_1157 = vector.broadcast %max3A_1156 : f32 to vector<16xf32>
    %max3A_1158 = arith.maximumf %gather3A_1155, %max3A_1157 : vector<16xf32>
    %mul3A_1159 = arith.constant 1.000000e+02 : f32
    %mul3A_1160 = vector.broadcast %mul3A_1159 : f32 to vector<16xf32>
    %mul3A_1161 = arith.mulf %max3A_1158, %mul3A_1160 : vector<16xf32>
    %convert_element_type3A_1162 = arith.fptosi %mul3A_1161 : vector<16xf32> to vector<16xi32>
    %min3A_1163 = arith.constant 99 : i32
    %min3A_1164 = vector.broadcast %min3A_1163 : i32 to vector<16xi32>
    %min3A_1165 = arith.minsi %convert_element_type3A_1162, %min3A_1164 : vector<16xi32>
    %add3A_1166 = arith.constant 1057 : i32
    %add3A_1167 = vector.broadcast %add3A_1166 : i32 to vector<16xi32>
    %add3A_1168 = arith.addi %mul3A_7, %add3A_1167 : vector<16xi32>
    %gather3A_1169 = tpu.vector_load_idx %arg5[%add3A_1168] : memref<1536xf32, #tpu.memory_space<vmem>>[vector<16xi32>], vector<16xf32>,
    %max3A_1170 = arith.constant 0.000000e+00 : f32
    %max3A_1171 = vector.broadcast %max3A_1170 : f32 to vector<16xf32>
    %max3A_1172 = arith.maximumf %gather3A_1169, %max3A_1171 : vector<16xf32>
    %mul3A_1173 = arith.constant 1.000000e+02 : f32
    %mul3A_1174 = vector.broadcast %mul3A_1173 : f32 to vector<16xf32>
    %mul3A_1175 = arith.mulf %max3A_1172, %mul3A_1174 : vector<16xf32>
    %convert_element_type3A_1176 = arith.fptosi %mul3A_1175 : vector<16xf32> to vector<16xi32>
    %min3A_1177 = arith.constant 99 : i32
    %min3A_1178 = vector.broadcast %min3A_1177 : i32 to vector<16xi32>
    %min3A_1179 = arith.minsi %convert_element_type3A_1176, %min3A_1178 : vector<16xi32>
    %add3A_1180 = arith.constant 1058 : i32
    %add3A_1181 = vector.broadcast %add3A_1180 : i32 to vector<16xi32>
    %add3A_1182 = arith.addi %mul3A_7, %add3A_1181 : vector<16xi32>
    %gather3A_1183 = tpu.vector_load_idx %arg5[%add3A_1182] : memref<1536xf32, #tpu.memory_space<vmem>>[vector<16xi32>], vector<16xf32>,
    %max3A_1184 = arith.constant 0.000000e+00 : f32
    %max3A_1185 = vector.broadcast %max3A_1184 : f32 to vector<16xf32>
    %max3A_1186 = arith.maximumf %gather3A_1183, %max3A_1185 : vector<16xf32>
    %mul3A_1187 = arith.constant 1.000000e+02 : f32
    %mul3A_1188 = vector.broadcast %mul3A_1187 : f32 to vector<16xf32>
    %mul3A_1189 = arith.mulf %max3A_1186, %mul3A_1188 : vector<16xf32>
    %convert_element_type3A_1190 = arith.fptosi %mul3A_1189 : vector<16xf32> to vector<16xi32>
    %min3A_1191 = arith.constant 99 : i32
    %min3A_1192 = vector.broadcast %min3A_1191 : i32 to vector<16xi32>
    %min3A_1193 = arith.minsi %convert_element_type3A_1190, %min3A_1192 : vector<16xi32>
    %mul3A_1194 = arith.constant 100 : i32
    %mul3A_1195 = vector.broadcast %mul3A_1194 : i32 to vector<16xi32>
    %mul3A_1196 = arith.muli %min3A_1179, %mul3A_1195 : vector<16xi32>
    %add3A_1197 = arith.addi %min3A_1165, %mul3A_1196 : vector<16xi32>
    %mul3A_1198 = arith.constant 10000 : i32
    %mul3A_1199 = vector.broadcast %mul3A_1198 : i32 to vector<16xi32>
    %mul3A_1200 = arith.muli %min3A_1193, %mul3A_1199 : vector<16xi32>
    %add3A_1201 = arith.addi %add3A_1197, %mul3A_1200 : vector<16xi32>
    %swap3A_1202 = arith.constant 96 : index
    %swap3A_1203 = tpu.vector_load %arg8[%swap3A_1202] {strides = array<i32>} : memref<128xi32, #tpu.memory_space<vmem>>, vector<16xi32>,
    tpu.vector_store %arg8[%swap3A_1202], %add3A_1201 {strides = array<i32>} : memref<128xi32, #tpu.memory_space<vmem>>, vector<16xi32>,
    %add3A_1204 = arith.constant 1104 : i32
    %add3A_1205 = vector.broadcast %add3A_1204 : i32 to vector<16xi32>
    %add3A_1206 = arith.addi %mul3A_7, %add3A_1205 : vector<16xi32>
    %gather3A_1207 = tpu.vector_load_idx %arg5[%add3A_1206] : memref<1536xf32, #tpu.memory_space<vmem>>[vector<16xi32>], vector<16xf32>,
    %max3A_1208 = arith.constant 0.000000e+00 : f32
    %max3A_1209 = vector.broadcast %max3A_1208 : f32 to vector<16xf32>
    %max3A_1210 = arith.maximumf %gather3A_1207, %max3A_1209 : vector<16xf32>
    %mul3A_1211 = arith.constant 1.000000e+02 : f32
    %mul3A_1212 = vector.broadcast %mul3A_1211 : f32 to vector<16xf32>
    %mul3A_1213 = arith.mulf %max3A_1210, %mul3A_1212 : vector<16xf32>
    %convert_element_type3A_1214 = arith.fptosi %mul3A_1213 : vector<16xf32> to vector<16xi32>
    %min3A_1215 = arith.constant 99 : i32
    %min3A_1216 = vector.broadcast %min3A_1215 : i32 to vector<16xi32>
    %min3A_1217 = arith.minsi %convert_element_type3A_1214, %min3A_1216 : vector<16xi32>
    %add3A_1218 = arith.constant 1105 : i32
    %add3A_1219 = vector.broadcast %add3A_1218 : i32 to vector<16xi32>
    %add3A_1220 = arith.addi %mul3A_7, %add3A_1219 : vector<16xi32>
    %gather3A_1221 = tpu.vector_load_idx %arg5[%add3A_1220] : memref<1536xf32, #tpu.memory_space<vmem>>[vector<16xi32>], vector<16xf32>,
    %max3A_1222 = arith.constant 0.000000e+00 : f32
    %max3A_1223 = vector.broadcast %max3A_1222 : f32 to vector<16xf32>
    %max3A_1224 = arith.maximumf %gather3A_1221, %max3A_1223 : vector<16xf32>
    %mul3A_1225 = arith.constant 1.000000e+02 : f32
    %mul3A_1226 = vector.broadcast %mul3A_1225 : f32 to vector<16xf32>
    %mul3A_1227 = arith.mulf %max3A_1224, %mul3A_1226 : vector<16xf32>
    %convert_element_type3A_1228 = arith.fptosi %mul3A_1227 : vector<16xf32> to vector<16xi32>
    %min3A_1229 = arith.constant 99 : i32
    %min3A_1230 = vector.broadcast %min3A_1229 : i32 to vector<16xi32>
    %min3A_1231 = arith.minsi %convert_element_type3A_1228, %min3A_1230 : vector<16xi32>
    %add3A_1232 = arith.constant 1106 : i32
    %add3A_1233 = vector.broadcast %add3A_1232 : i32 to vector<16xi32>
    %add3A_1234 = arith.addi %mul3A_7, %add3A_1233 : vector<16xi32>
    %gather3A_1235 = tpu.vector_load_idx %arg5[%add3A_1234] : memref<1536xf32, #tpu.memory_space<vmem>>[vector<16xi32>], vector<16xf32>,
    %max3A_1236 = arith.constant 0.000000e+00 : f32
    %max3A_1237 = vector.broadcast %max3A_1236 : f32 to vector<16xf32>
    %max3A_1238 = arith.maximumf %gather3A_1235, %max3A_1237 : vector<16xf32>
    %mul3A_1239 = arith.constant 1.000000e+02 : f32
    %mul3A_1240 = vector.broadcast %mul3A_1239 : f32 to vector<16xf32>
    %mul3A_1241 = arith.mulf %max3A_1238, %mul3A_1240 : vector<16xf32>
    %convert_element_type3A_1242 = arith.fptosi %mul3A_1241 : vector<16xf32> to vector<16xi32>
    %min3A_1243 = arith.constant 99 : i32
    %min3A_1244 = vector.broadcast %min3A_1243 : i32 to vector<16xi32>
    %min3A_1245 = arith.minsi %convert_element_type3A_1242, %min3A_1244 : vector<16xi32>
    %mul3A_1246 = arith.constant 100 : i32
    %mul3A_1247 = vector.broadcast %mul3A_1246 : i32 to vector<16xi32>
    %mul3A_1248 = arith.muli %min3A_1231, %mul3A_1247 : vector<16xi32>
    %add3A_1249 = arith.addi %min3A_1217, %mul3A_1248 : vector<16xi32>
    %mul3A_1250 = arith.constant 10000 : i32
    %mul3A_1251 = vector.broadcast %mul3A_1250 : i32 to vector<16xi32>
    %mul3A_1252 = arith.muli %min3A_1245, %mul3A_1251 : vector<16xi32>
    %add3A_1253 = arith.addi %add3A_1249, %mul3A_1252 : vector<16xi32>
    %swap3A_1254 = arith.constant 112 : index
    %swap3A_1255 = tpu.vector_load %arg8[%swap3A_1254] {strides = array<i32>} : memref<128xi32, #tpu.memory_space<vmem>>, vector<16xi32>,
    tpu.vector_store %arg8[%swap3A_1254], %add3A_1253 {strides = array<i32>} : memref<128xi32, #tpu.memory_space<vmem>>, vector<16xi32>,
    %dma_start3A_1256 = arith.constant 0 : i32
    %dma_start3A_1257 = arith.constant 0 : i32
    %dma_start3A_1258 = tpu.memref_slice %arg3[%dma_start3A_1256, %dma_start3A_1257] : memref<1000001x16xf32, #tpu.memory_space<hbm>> -> memref<1000001x16xf32, #tpu.memory_space<hbm>>
    tpu.enqueue_indirect_dma source(%dma_start3A_1258 : memref<1000001x16xf32, #tpu.memory_space<hbm>>) target(%arg12 : memref<128x16xf32, #tpu.memory_space<vmem>>) offsets(%arg8 : memref<128xi32, #tpu.memory_space<vmem>>) semaphore(%arg14 : memref<!tpu.dma_semaphore, #tpu.memory_space<semaphore_mem>>)
    %add3A_1259 = arith.constant 1152 : i32
    %add3A_1260 = vector.broadcast %add3A_1259 : i32 to vector<16xi32>
    %add3A_1261 = arith.addi %mul3A_7, %add3A_1260 : vector<16xi32>
    %gather3A_1262 = tpu.vector_load_idx %arg5[%add3A_1261] : memref<1536xf32, #tpu.memory_space<vmem>>[vector<16xi32>], vector<16xf32>,
    %max3A_1263 = arith.constant 0.000000e+00 : f32
    %max3A_1264 = vector.broadcast %max3A_1263 : f32 to vector<16xf32>
    %max3A_1265 = arith.maximumf %gather3A_1262, %max3A_1264 : vector<16xf32>
    %mul3A_1266 = arith.constant 1.000000e+02 : f32
    %mul3A_1267 = vector.broadcast %mul3A_1266 : f32 to vector<16xf32>
    %mul3A_1268 = arith.mulf %max3A_1265, %mul3A_1267 : vector<16xf32>
    %convert_element_type3A_1269 = arith.fptosi %mul3A_1268 : vector<16xf32> to vector<16xi32>
    %min3A_1270 = arith.constant 99 : i32
    %min3A_1271 = vector.broadcast %min3A_1270 : i32 to vector<16xi32>
    %min3A_1272 = arith.minsi %convert_element_type3A_1269, %min3A_1271 : vector<16xi32>
    %add3A_1273 = arith.constant 1153 : i32
    %add3A_1274 = vector.broadcast %add3A_1273 : i32 to vector<16xi32>
    %add3A_1275 = arith.addi %mul3A_7, %add3A_1274 : vector<16xi32>
    %gather3A_1276 = tpu.vector_load_idx %arg5[%add3A_1275] : memref<1536xf32, #tpu.memory_space<vmem>>[vector<16xi32>], vector<16xf32>,
    %max3A_1277 = arith.constant 0.000000e+00 : f32
    %max3A_1278 = vector.broadcast %max3A_1277 : f32 to vector<16xf32>
    %max3A_1279 = arith.maximumf %gather3A_1276, %max3A_1278 : vector<16xf32>
    %mul3A_1280 = arith.constant 1.000000e+02 : f32
    %mul3A_1281 = vector.broadcast %mul3A_1280 : f32 to vector<16xf32>
    %mul3A_1282 = arith.mulf %max3A_1279, %mul3A_1281 : vector<16xf32>
    %convert_element_type3A_1283 = arith.fptosi %mul3A_1282 : vector<16xf32> to vector<16xi32>
    %min3A_1284 = arith.constant 99 : i32
    %min3A_1285 = vector.broadcast %min3A_1284 : i32 to vector<16xi32>
    %min3A_1286 = arith.minsi %convert_element_type3A_1283, %min3A_1285 : vector<16xi32>
    %add3A_1287 = arith.constant 1154 : i32
    %add3A_1288 = vector.broadcast %add3A_1287 : i32 to vector<16xi32>
    %add3A_1289 = arith.addi %mul3A_7, %add3A_1288 : vector<16xi32>
    %gather3A_1290 = tpu.vector_load_idx %arg5[%add3A_1289] : memref<1536xf32, #tpu.memory_space<vmem>>[vector<16xi32>], vector<16xf32>,
    %max3A_1291 = arith.constant 0.000000e+00 : f32
    %max3A_1292 = vector.broadcast %max3A_1291 : f32 to vector<16xf32>
    %max3A_1293 = arith.maximumf %gather3A_1290, %max3A_1292 : vector<16xf32>
    %mul3A_1294 = arith.constant 1.000000e+02 : f32
    %mul3A_1295 = vector.broadcast %mul3A_1294 : f32 to vector<16xf32>
    %mul3A_1296 = arith.mulf %max3A_1293, %mul3A_1295 : vector<16xf32>
    %convert_element_type3A_1297 = arith.fptosi %mul3A_1296 : vector<16xf32> to vector<16xi32>
    %min3A_1298 = arith.constant 99 : i32
    %min3A_1299 = vector.broadcast %min3A_1298 : i32 to vector<16xi32>
    %min3A_1300 = arith.minsi %convert_element_type3A_1297, %min3A_1299 : vector<16xi32>
    %mul3A_1301 = arith.constant 100 : i32
    %mul3A_1302 = vector.broadcast %mul3A_1301 : i32 to vector<16xi32>
    %mul3A_1303 = arith.muli %min3A_1286, %mul3A_1302 : vector<16xi32>
    %add3A_1304 = arith.addi %min3A_1272, %mul3A_1303 : vector<16xi32>
    %mul3A_1305 = arith.constant 10000 : i32
    %mul3A_1306 = vector.broadcast %mul3A_1305 : i32 to vector<16xi32>
    %mul3A_1307 = arith.muli %min3A_1300, %mul3A_1306 : vector<16xi32>
    %add3A_1308 = arith.addi %add3A_1304, %mul3A_1307 : vector<16xi32>
    %swap3A_1309 = arith.constant 0 : index
    %swap3A_1310 = tpu.vector_load %arg9[%swap3A_1309] {strides = array<i32>} : memref<128xi32, #tpu.memory_space<vmem>>, vector<16xi32>,
    tpu.vector_store %arg9[%swap3A_1309], %add3A_1308 {strides = array<i32>} : memref<128xi32, #tpu.memory_space<vmem>>, vector<16xi32>,
    %add3A_1311 = arith.constant 1200 : i32
    %add3A_1312 = vector.broadcast %add3A_1311 : i32 to vector<16xi32>
    %add3A_1313 = arith.addi %mul3A_7, %add3A_1312 : vector<16xi32>
    %gather3A_1314 = tpu.vector_load_idx %arg5[%add3A_1313] : memref<1536xf32, #tpu.memory_space<vmem>>[vector<16xi32>], vector<16xf32>,
    %max3A_1315 = arith.constant 0.000000e+00 : f32
    %max3A_1316 = vector.broadcast %max3A_1315 : f32 to vector<16xf32>
    %max3A_1317 = arith.maximumf %gather3A_1314, %max3A_1316 : vector<16xf32>
    %mul3A_1318 = arith.constant 1.000000e+02 : f32
    %mul3A_1319 = vector.broadcast %mul3A_1318 : f32 to vector<16xf32>
    %mul3A_1320 = arith.mulf %max3A_1317, %mul3A_1319 : vector<16xf32>
    %convert_element_type3A_1321 = arith.fptosi %mul3A_1320 : vector<16xf32> to vector<16xi32>
    %min3A_1322 = arith.constant 99 : i32
    %min3A_1323 = vector.broadcast %min3A_1322 : i32 to vector<16xi32>
    %min3A_1324 = arith.minsi %convert_element_type3A_1321, %min3A_1323 : vector<16xi32>
    %add3A_1325 = arith.constant 1201 : i32
    %add3A_1326 = vector.broadcast %add3A_1325 : i32 to vector<16xi32>
    %add3A_1327 = arith.addi %mul3A_7, %add3A_1326 : vector<16xi32>
    %gather3A_1328 = tpu.vector_load_idx %arg5[%add3A_1327] : memref<1536xf32, #tpu.memory_space<vmem>>[vector<16xi32>], vector<16xf32>,
    %max3A_1329 = arith.constant 0.000000e+00 : f32
    %max3A_1330 = vector.broadcast %max3A_1329 : f32 to vector<16xf32>
    %max3A_1331 = arith.maximumf %gather3A_1328, %max3A_1330 : vector<16xf32>
    %mul3A_1332 = arith.constant 1.000000e+02 : f32
    %mul3A_1333 = vector.broadcast %mul3A_1332 : f32 to vector<16xf32>
    %mul3A_1334 = arith.mulf %max3A_1331, %mul3A_1333 : vector<16xf32>
    %convert_element_type3A_1335 = arith.fptosi %mul3A_1334 : vector<16xf32> to vector<16xi32>
    %min3A_1336 = arith.constant 99 : i32
    %min3A_1337 = vector.broadcast %min3A_1336 : i32 to vector<16xi32>
    %min3A_1338 = arith.minsi %convert_element_type3A_1335, %min3A_1337 : vector<16xi32>
    %add3A_1339 = arith.constant 1202 : i32
    %add3A_1340 = vector.broadcast %add3A_1339 : i32 to vector<16xi32>
    %add3A_1341 = arith.addi %mul3A_7, %add3A_1340 : vector<16xi32>
    %gather3A_1342 = tpu.vector_load_idx %arg5[%add3A_1341] : memref<1536xf32, #tpu.memory_space<vmem>>[vector<16xi32>], vector<16xf32>,
    %max3A_1343 = arith.constant 0.000000e+00 : f32
    %max3A_1344 = vector.broadcast %max3A_1343 : f32 to vector<16xf32>
    %max3A_1345 = arith.maximumf %gather3A_1342, %max3A_1344 : vector<16xf32>
    %mul3A_1346 = arith.constant 1.000000e+02 : f32
    %mul3A_1347 = vector.broadcast %mul3A_1346 : f32 to vector<16xf32>
    %mul3A_1348 = arith.mulf %max3A_1345, %mul3A_1347 : vector<16xf32>
    %convert_element_type3A_1349 = arith.fptosi %mul3A_1348 : vector<16xf32> to vector<16xi32>
    %min3A_1350 = arith.constant 99 : i32
    %min3A_1351 = vector.broadcast %min3A_1350 : i32 to vector<16xi32>
    %min3A_1352 = arith.minsi %convert_element_type3A_1349, %min3A_1351 : vector<16xi32>
    %mul3A_1353 = arith.constant 100 : i32
    %mul3A_1354 = vector.broadcast %mul3A_1353 : i32 to vector<16xi32>
    %mul3A_1355 = arith.muli %min3A_1338, %mul3A_1354 : vector<16xi32>
    %add3A_1356 = arith.addi %min3A_1324, %mul3A_1355 : vector<16xi32>
    %mul3A_1357 = arith.constant 10000 : i32
    %mul3A_1358 = vector.broadcast %mul3A_1357 : i32 to vector<16xi32>
    %mul3A_1359 = arith.muli %min3A_1352, %mul3A_1358 : vector<16xi32>
    %add3A_1360 = arith.addi %add3A_1356, %mul3A_1359 : vector<16xi32>
    %swap3A_1361 = arith.constant 16 : index
    %swap3A_1362 = tpu.vector_load %arg9[%swap3A_1361] {strides = array<i32>} : memref<128xi32, #tpu.memory_space<vmem>>, vector<16xi32>,
    tpu.vector_store %arg9[%swap3A_1361], %add3A_1360 {strides = array<i32>} : memref<128xi32, #tpu.memory_space<vmem>>, vector<16xi32>,
    %add3A_1363 = arith.constant 1248 : i32
    %add3A_1364 = vector.broadcast %add3A_1363 : i32 to vector<16xi32>
    %add3A_1365 = arith.addi %mul3A_7, %add3A_1364 : vector<16xi32>
    %gather3A_1366 = tpu.vector_load_idx %arg5[%add3A_1365] : memref<1536xf32, #tpu.memory_space<vmem>>[vector<16xi32>], vector<16xf32>,
    %max3A_1367 = arith.constant 0.000000e+00 : f32
    %max3A_1368 = vector.broadcast %max3A_1367 : f32 to vector<16xf32>
    %max3A_1369 = arith.maximumf %gather3A_1366, %max3A_1368 : vector<16xf32>
    %mul3A_1370 = arith.constant 1.000000e+02 : f32
    %mul3A_1371 = vector.broadcast %mul3A_1370 : f32 to vector<16xf32>
    %mul3A_1372 = arith.mulf %max3A_1369, %mul3A_1371 : vector<16xf32>
    %convert_element_type3A_1373 = arith.fptosi %mul3A_1372 : vector<16xf32> to vector<16xi32>
    %min3A_1374 = arith.constant 99 : i32
    %min3A_1375 = vector.broadcast %min3A_1374 : i32 to vector<16xi32>
    %min3A_1376 = arith.minsi %convert_element_type3A_1373, %min3A_1375 : vector<16xi32>
    %add3A_1377 = arith.constant 1249 : i32
    %add3A_1378 = vector.broadcast %add3A_1377 : i32 to vector<16xi32>
    %add3A_1379 = arith.addi %mul3A_7, %add3A_1378 : vector<16xi32>
    %gather3A_1380 = tpu.vector_load_idx %arg5[%add3A_1379] : memref<1536xf32, #tpu.memory_space<vmem>>[vector<16xi32>], vector<16xf32>,
    %max3A_1381 = arith.constant 0.000000e+00 : f32
    %max3A_1382 = vector.broadcast %max3A_1381 : f32 to vector<16xf32>
    %max3A_1383 = arith.maximumf %gather3A_1380, %max3A_1382 : vector<16xf32>
    %mul3A_1384 = arith.constant 1.000000e+02 : f32
    %mul3A_1385 = vector.broadcast %mul3A_1384 : f32 to vector<16xf32>
    %mul3A_1386 = arith.mulf %max3A_1383, %mul3A_1385 : vector<16xf32>
    %convert_element_type3A_1387 = arith.fptosi %mul3A_1386 : vector<16xf32> to vector<16xi32>
    %min3A_1388 = arith.constant 99 : i32
    %min3A_1389 = vector.broadcast %min3A_1388 : i32 to vector<16xi32>
    %min3A_1390 = arith.minsi %convert_element_type3A_1387, %min3A_1389 : vector<16xi32>
    %add3A_1391 = arith.constant 1250 : i32
    %add3A_1392 = vector.broadcast %add3A_1391 : i32 to vector<16xi32>
    %add3A_1393 = arith.addi %mul3A_7, %add3A_1392 : vector<16xi32>
    %gather3A_1394 = tpu.vector_load_idx %arg5[%add3A_1393] : memref<1536xf32, #tpu.memory_space<vmem>>[vector<16xi32>], vector<16xf32>,
    %max3A_1395 = arith.constant 0.000000e+00 : f32
    %max3A_1396 = vector.broadcast %max3A_1395 : f32 to vector<16xf32>
    %max3A_1397 = arith.maximumf %gather3A_1394, %max3A_1396 : vector<16xf32>
    %mul3A_1398 = arith.constant 1.000000e+02 : f32
    %mul3A_1399 = vector.broadcast %mul3A_1398 : f32 to vector<16xf32>
    %mul3A_1400 = arith.mulf %max3A_1397, %mul3A_1399 : vector<16xf32>
    %convert_element_type3A_1401 = arith.fptosi %mul3A_1400 : vector<16xf32> to vector<16xi32>
    %min3A_1402 = arith.constant 99 : i32
    %min3A_1403 = vector.broadcast %min3A_1402 : i32 to vector<16xi32>
    %min3A_1404 = arith.minsi %convert_element_type3A_1401, %min3A_1403 : vector<16xi32>
    %mul3A_1405 = arith.constant 100 : i32
    %mul3A_1406 = vector.broadcast %mul3A_1405 : i32 to vector<16xi32>
    %mul3A_1407 = arith.muli %min3A_1390, %mul3A_1406 : vector<16xi32>
    %add3A_1408 = arith.addi %min3A_1376, %mul3A_1407 : vector<16xi32>
    %mul3A_1409 = arith.constant 10000 : i32
    %mul3A_1410 = vector.broadcast %mul3A_1409 : i32 to vector<16xi32>
    %mul3A_1411 = arith.muli %min3A_1404, %mul3A_1410 : vector<16xi32>
    %add3A_1412 = arith.addi %add3A_1408, %mul3A_1411 : vector<16xi32>
    %swap3A_1413 = arith.constant 32 : index
    %swap3A_1414 = tpu.vector_load %arg9[%swap3A_1413] {strides = array<i32>} : memref<128xi32, #tpu.memory_space<vmem>>, vector<16xi32>,
    tpu.vector_store %arg9[%swap3A_1413], %add3A_1412 {strides = array<i32>} : memref<128xi32, #tpu.memory_space<vmem>>, vector<16xi32>,
    %add3A_1415 = arith.constant 1296 : i32
    %add3A_1416 = vector.broadcast %add3A_1415 : i32 to vector<16xi32>
    %add3A_1417 = arith.addi %mul3A_7, %add3A_1416 : vector<16xi32>
    %gather3A_1418 = tpu.vector_load_idx %arg5[%add3A_1417] : memref<1536xf32, #tpu.memory_space<vmem>>[vector<16xi32>], vector<16xf32>,
    %max3A_1419 = arith.constant 0.000000e+00 : f32
    %max3A_1420 = vector.broadcast %max3A_1419 : f32 to vector<16xf32>
    %max3A_1421 = arith.maximumf %gather3A_1418, %max3A_1420 : vector<16xf32>
    %mul3A_1422 = arith.constant 1.000000e+02 : f32
    %mul3A_1423 = vector.broadcast %mul3A_1422 : f32 to vector<16xf32>
    %mul3A_1424 = arith.mulf %max3A_1421, %mul3A_1423 : vector<16xf32>
    %convert_element_type3A_1425 = arith.fptosi %mul3A_1424 : vector<16xf32> to vector<16xi32>
    %min3A_1426 = arith.constant 99 : i32
    %min3A_1427 = vector.broadcast %min3A_1426 : i32 to vector<16xi32>
    %min3A_1428 = arith.minsi %convert_element_type3A_1425, %min3A_1427 : vector<16xi32>
    %add3A_1429 = arith.constant 1297 : i32
    %add3A_1430 = vector.broadcast %add3A_1429 : i32 to vector<16xi32>
    %add3A_1431 = arith.addi %mul3A_7, %add3A_1430 : vector<16xi32>
    %gather3A_1432 = tpu.vector_load_idx %arg5[%add3A_1431] : memref<1536xf32, #tpu.memory_space<vmem>>[vector<16xi32>], vector<16xf32>,
    %max3A_1433 = arith.constant 0.000000e+00 : f32
    %max3A_1434 = vector.broadcast %max3A_1433 : f32 to vector<16xf32>
    %max3A_1435 = arith.maximumf %gather3A_1432, %max3A_1434 : vector<16xf32>
    %mul3A_1436 = arith.constant 1.000000e+02 : f32
    %mul3A_1437 = vector.broadcast %mul3A_1436 : f32 to vector<16xf32>
    %mul3A_1438 = arith.mulf %max3A_1435, %mul3A_1437 : vector<16xf32>
    %convert_element_type3A_1439 = arith.fptosi %mul3A_1438 : vector<16xf32> to vector<16xi32>
    %min3A_1440 = arith.constant 99 : i32
    %min3A_1441 = vector.broadcast %min3A_1440 : i32 to vector<16xi32>
    %min3A_1442 = arith.minsi %convert_element_type3A_1439, %min3A_1441 : vector<16xi32>
    %add3A_1443 = arith.constant 1298 : i32
    %add3A_1444 = vector.broadcast %add3A_1443 : i32 to vector<16xi32>
    %add3A_1445 = arith.addi %mul3A_7, %add3A_1444 : vector<16xi32>
    %gather3A_1446 = tpu.vector_load_idx %arg5[%add3A_1445] : memref<1536xf32, #tpu.memory_space<vmem>>[vector<16xi32>], vector<16xf32>,
    %max3A_1447 = arith.constant 0.000000e+00 : f32
    %max3A_1448 = vector.broadcast %max3A_1447 : f32 to vector<16xf32>
    %max3A_1449 = arith.maximumf %gather3A_1446, %max3A_1448 : vector<16xf32>
    %mul3A_1450 = arith.constant 1.000000e+02 : f32
    %mul3A_1451 = vector.broadcast %mul3A_1450 : f32 to vector<16xf32>
    %mul3A_1452 = arith.mulf %max3A_1449, %mul3A_1451 : vector<16xf32>
    %convert_element_type3A_1453 = arith.fptosi %mul3A_1452 : vector<16xf32> to vector<16xi32>
    %min3A_1454 = arith.constant 99 : i32
    %min3A_1455 = vector.broadcast %min3A_1454 : i32 to vector<16xi32>
    %min3A_1456 = arith.minsi %convert_element_type3A_1453, %min3A_1455 : vector<16xi32>
    %mul3A_1457 = arith.constant 100 : i32
    %mul3A_1458 = vector.broadcast %mul3A_1457 : i32 to vector<16xi32>
    %mul3A_1459 = arith.muli %min3A_1442, %mul3A_1458 : vector<16xi32>
    %add3A_1460 = arith.addi %min3A_1428, %mul3A_1459 : vector<16xi32>
    %mul3A_1461 = arith.constant 10000 : i32
    %mul3A_1462 = vector.broadcast %mul3A_1461 : i32 to vector<16xi32>
    %mul3A_1463 = arith.muli %min3A_1456, %mul3A_1462 : vector<16xi32>
    %add3A_1464 = arith.addi %add3A_1460, %mul3A_1463 : vector<16xi32>
    %swap3A_1465 = arith.constant 48 : index
    %swap3A_1466 = tpu.vector_load %arg9[%swap3A_1465] {strides = array<i32>} : memref<128xi32, #tpu.memory_space<vmem>>, vector<16xi32>,
    tpu.vector_store %arg9[%swap3A_1465], %add3A_1464 {strides = array<i32>} : memref<128xi32, #tpu.memory_space<vmem>>, vector<16xi32>,
    %add3A_1467 = arith.constant 1344 : i32
    %add3A_1468 = vector.broadcast %add3A_1467 : i32 to vector<16xi32>
    %add3A_1469 = arith.addi %mul3A_7, %add3A_1468 : vector<16xi32>
    %gather3A_1470 = tpu.vector_load_idx %arg5[%add3A_1469] : memref<1536xf32, #tpu.memory_space<vmem>>[vector<16xi32>], vector<16xf32>,
    %max3A_1471 = arith.constant 0.000000e+00 : f32
    %max3A_1472 = vector.broadcast %max3A_1471 : f32 to vector<16xf32>
    %max3A_1473 = arith.maximumf %gather3A_1470, %max3A_1472 : vector<16xf32>
    %mul3A_1474 = arith.constant 1.000000e+02 : f32
    %mul3A_1475 = vector.broadcast %mul3A_1474 : f32 to vector<16xf32>
    %mul3A_1476 = arith.mulf %max3A_1473, %mul3A_1475 : vector<16xf32>
    %convert_element_type3A_1477 = arith.fptosi %mul3A_1476 : vector<16xf32> to vector<16xi32>
    %min3A_1478 = arith.constant 99 : i32
    %min3A_1479 = vector.broadcast %min3A_1478 : i32 to vector<16xi32>
    %min3A_1480 = arith.minsi %convert_element_type3A_1477, %min3A_1479 : vector<16xi32>
    %add3A_1481 = arith.constant 1345 : i32
    %add3A_1482 = vector.broadcast %add3A_1481 : i32 to vector<16xi32>
    %add3A_1483 = arith.addi %mul3A_7, %add3A_1482 : vector<16xi32>
    %gather3A_1484 = tpu.vector_load_idx %arg5[%add3A_1483] : memref<1536xf32, #tpu.memory_space<vmem>>[vector<16xi32>], vector<16xf32>,
    %max3A_1485 = arith.constant 0.000000e+00 : f32
    %max3A_1486 = vector.broadcast %max3A_1485 : f32 to vector<16xf32>
    %max3A_1487 = arith.maximumf %gather3A_1484, %max3A_1486 : vector<16xf32>
    %mul3A_1488 = arith.constant 1.000000e+02 : f32
    %mul3A_1489 = vector.broadcast %mul3A_1488 : f32 to vector<16xf32>
    %mul3A_1490 = arith.mulf %max3A_1487, %mul3A_1489 : vector<16xf32>
    %convert_element_type3A_1491 = arith.fptosi %mul3A_1490 : vector<16xf32> to vector<16xi32>
    %min3A_1492 = arith.constant 99 : i32
    %min3A_1493 = vector.broadcast %min3A_1492 : i32 to vector<16xi32>
    %min3A_1494 = arith.minsi %convert_element_type3A_1491, %min3A_1493 : vector<16xi32>
    %add3A_1495 = arith.constant 1346 : i32
    %add3A_1496 = vector.broadcast %add3A_1495 : i32 to vector<16xi32>
    %add3A_1497 = arith.addi %mul3A_7, %add3A_1496 : vector<16xi32>
    %gather3A_1498 = tpu.vector_load_idx %arg5[%add3A_1497] : memref<1536xf32, #tpu.memory_space<vmem>>[vector<16xi32>], vector<16xf32>,
    %max3A_1499 = arith.constant 0.000000e+00 : f32
    %max3A_1500 = vector.broadcast %max3A_1499 : f32 to vector<16xf32>
    %max3A_1501 = arith.maximumf %gather3A_1498, %max3A_1500 : vector<16xf32>
    %mul3A_1502 = arith.constant 1.000000e+02 : f32
    %mul3A_1503 = vector.broadcast %mul3A_1502 : f32 to vector<16xf32>
    %mul3A_1504 = arith.mulf %max3A_1501, %mul3A_1503 : vector<16xf32>
    %convert_element_type3A_1505 = arith.fptosi %mul3A_1504 : vector<16xf32> to vector<16xi32>
    %min3A_1506 = arith.constant 99 : i32
    %min3A_1507 = vector.broadcast %min3A_1506 : i32 to vector<16xi32>
    %min3A_1508 = arith.minsi %convert_element_type3A_1505, %min3A_1507 : vector<16xi32>
    %mul3A_1509 = arith.constant 100 : i32
    %mul3A_1510 = vector.broadcast %mul3A_1509 : i32 to vector<16xi32>
    %mul3A_1511 = arith.muli %min3A_1494, %mul3A_1510 : vector<16xi32>
    %add3A_1512 = arith.addi %min3A_1480, %mul3A_1511 : vector<16xi32>
    %mul3A_1513 = arith.constant 10000 : i32
    %mul3A_1514 = vector.broadcast %mul3A_1513 : i32 to vector<16xi32>
    %mul3A_1515 = arith.muli %min3A_1508, %mul3A_1514 : vector<16xi32>
    %add3A_1516 = arith.addi %add3A_1512, %mul3A_1515 : vector<16xi32>
    %swap3A_1517 = arith.constant 64 : index
    %swap3A_1518 = tpu.vector_load %arg9[%swap3A_1517] {strides = array<i32>} : memref<128xi32, #tpu.memory_space<vmem>>, vector<16xi32>,
    tpu.vector_store %arg9[%swap3A_1517], %add3A_1516 {strides = array<i32>} : memref<128xi32, #tpu.memory_space<vmem>>, vector<16xi32>,
    %add3A_1519 = arith.constant 1392 : i32
    %add3A_1520 = vector.broadcast %add3A_1519 : i32 to vector<16xi32>
    %add3A_1521 = arith.addi %mul3A_7, %add3A_1520 : vector<16xi32>
    %gather3A_1522 = tpu.vector_load_idx %arg5[%add3A_1521] : memref<1536xf32, #tpu.memory_space<vmem>>[vector<16xi32>], vector<16xf32>,
    %max3A_1523 = arith.constant 0.000000e+00 : f32
    %max3A_1524 = vector.broadcast %max3A_1523 : f32 to vector<16xf32>
    %max3A_1525 = arith.maximumf %gather3A_1522, %max3A_1524 : vector<16xf32>
    %mul3A_1526 = arith.constant 1.000000e+02 : f32
    %mul3A_1527 = vector.broadcast %mul3A_1526 : f32 to vector<16xf32>
    %mul3A_1528 = arith.mulf %max3A_1525, %mul3A_1527 : vector<16xf32>
    %convert_element_type3A_1529 = arith.fptosi %mul3A_1528 : vector<16xf32> to vector<16xi32>
    %min3A_1530 = arith.constant 99 : i32
    %min3A_1531 = vector.broadcast %min3A_1530 : i32 to vector<16xi32>
    %min3A_1532 = arith.minsi %convert_element_type3A_1529, %min3A_1531 : vector<16xi32>
    %add3A_1533 = arith.constant 1393 : i32
    %add3A_1534 = vector.broadcast %add3A_1533 : i32 to vector<16xi32>
    %add3A_1535 = arith.addi %mul3A_7, %add3A_1534 : vector<16xi32>
    %gather3A_1536 = tpu.vector_load_idx %arg5[%add3A_1535] : memref<1536xf32, #tpu.memory_space<vmem>>[vector<16xi32>], vector<16xf32>,
    %max3A_1537 = arith.constant 0.000000e+00 : f32
    %max3A_1538 = vector.broadcast %max3A_1537 : f32 to vector<16xf32>
    %max3A_1539 = arith.maximumf %gather3A_1536, %max3A_1538 : vector<16xf32>
    %mul3A_1540 = arith.constant 1.000000e+02 : f32
    %mul3A_1541 = vector.broadcast %mul3A_1540 : f32 to vector<16xf32>
    %mul3A_1542 = arith.mulf %max3A_1539, %mul3A_1541 : vector<16xf32>
    %convert_element_type3A_1543 = arith.fptosi %mul3A_1542 : vector<16xf32> to vector<16xi32>
    %min3A_1544 = arith.constant 99 : i32
    %min3A_1545 = vector.broadcast %min3A_1544 : i32 to vector<16xi32>
    %min3A_1546 = arith.minsi %convert_element_type3A_1543, %min3A_1545 : vector<16xi32>
    %add3A_1547 = arith.constant 1394 : i32
    %add3A_1548 = vector.broadcast %add3A_1547 : i32 to vector<16xi32>
    %add3A_1549 = arith.addi %mul3A_7, %add3A_1548 : vector<16xi32>
    %gather3A_1550 = tpu.vector_load_idx %arg5[%add3A_1549] : memref<1536xf32, #tpu.memory_space<vmem>>[vector<16xi32>], vector<16xf32>,
    %max3A_1551 = arith.constant 0.000000e+00 : f32
    %max3A_1552 = vector.broadcast %max3A_1551 : f32 to vector<16xf32>
    %max3A_1553 = arith.maximumf %gather3A_1550, %max3A_1552 : vector<16xf32>
    %mul3A_1554 = arith.constant 1.000000e+02 : f32
    %mul3A_1555 = vector.broadcast %mul3A_1554 : f32 to vector<16xf32>
    %mul3A_1556 = arith.mulf %max3A_1553, %mul3A_1555 : vector<16xf32>
    %convert_element_type3A_1557 = arith.fptosi %mul3A_1556 : vector<16xf32> to vector<16xi32>
    %min3A_1558 = arith.constant 99 : i32
    %min3A_1559 = vector.broadcast %min3A_1558 : i32 to vector<16xi32>
    %min3A_1560 = arith.minsi %convert_element_type3A_1557, %min3A_1559 : vector<16xi32>
    %mul3A_1561 = arith.constant 100 : i32
    %mul3A_1562 = vector.broadcast %mul3A_1561 : i32 to vector<16xi32>
    %mul3A_1563 = arith.muli %min3A_1546, %mul3A_1562 : vector<16xi32>
    %add3A_1564 = arith.addi %min3A_1532, %mul3A_1563 : vector<16xi32>
    %mul3A_1565 = arith.constant 10000 : i32
    %mul3A_1566 = vector.broadcast %mul3A_1565 : i32 to vector<16xi32>
    %mul3A_1567 = arith.muli %min3A_1560, %mul3A_1566 : vector<16xi32>
    %add3A_1568 = arith.addi %add3A_1564, %mul3A_1567 : vector<16xi32>
    %swap3A_1569 = arith.constant 80 : index
    %swap3A_1570 = tpu.vector_load %arg9[%swap3A_1569] {strides = array<i32>} : memref<128xi32, #tpu.memory_space<vmem>>, vector<16xi32>,
    tpu.vector_store %arg9[%swap3A_1569], %add3A_1568 {strides = array<i32>} : memref<128xi32, #tpu.memory_space<vmem>>, vector<16xi32>,
    %add3A_1571 = arith.constant 1440 : i32
    %add3A_1572 = vector.broadcast %add3A_1571 : i32 to vector<16xi32>
    %add3A_1573 = arith.addi %mul3A_7, %add3A_1572 : vector<16xi32>
    %gather3A_1574 = tpu.vector_load_idx %arg5[%add3A_1573] : memref<1536xf32, #tpu.memory_space<vmem>>[vector<16xi32>], vector<16xf32>,
    %max3A_1575 = arith.constant 0.000000e+00 : f32
    %max3A_1576 = vector.broadcast %max3A_1575 : f32 to vector<16xf32>
    %max3A_1577 = arith.maximumf %gather3A_1574, %max3A_1576 : vector<16xf32>
    %mul3A_1578 = arith.constant 1.000000e+02 : f32
    %mul3A_1579 = vector.broadcast %mul3A_1578 : f32 to vector<16xf32>
    %mul3A_1580 = arith.mulf %max3A_1577, %mul3A_1579 : vector<16xf32>
    %convert_element_type3A_1581 = arith.fptosi %mul3A_1580 : vector<16xf32> to vector<16xi32>
    %min3A_1582 = arith.constant 99 : i32
    %min3A_1583 = vector.broadcast %min3A_1582 : i32 to vector<16xi32>
    %min3A_1584 = arith.minsi %convert_element_type3A_1581, %min3A_1583 : vector<16xi32>
    %add3A_1585 = arith.constant 1441 : i32
    %add3A_1586 = vector.broadcast %add3A_1585 : i32 to vector<16xi32>
    %add3A_1587 = arith.addi %mul3A_7, %add3A_1586 : vector<16xi32>
    %gather3A_1588 = tpu.vector_load_idx %arg5[%add3A_1587] : memref<1536xf32, #tpu.memory_space<vmem>>[vector<16xi32>], vector<16xf32>,
    %max3A_1589 = arith.constant 0.000000e+00 : f32
    %max3A_1590 = vector.broadcast %max3A_1589 : f32 to vector<16xf32>
    %max3A_1591 = arith.maximumf %gather3A_1588, %max3A_1590 : vector<16xf32>
    %mul3A_1592 = arith.constant 1.000000e+02 : f32
    %mul3A_1593 = vector.broadcast %mul3A_1592 : f32 to vector<16xf32>
    %mul3A_1594 = arith.mulf %max3A_1591, %mul3A_1593 : vector<16xf32>
    %convert_element_type3A_1595 = arith.fptosi %mul3A_1594 : vector<16xf32> to vector<16xi32>
    %min3A_1596 = arith.constant 99 : i32
    %min3A_1597 = vector.broadcast %min3A_1596 : i32 to vector<16xi32>
    %min3A_1598 = arith.minsi %convert_element_type3A_1595, %min3A_1597 : vector<16xi32>
    %add3A_1599 = arith.constant 1442 : i32
    %add3A_1600 = vector.broadcast %add3A_1599 : i32 to vector<16xi32>
    %add3A_1601 = arith.addi %mul3A_7, %add3A_1600 : vector<16xi32>
    %gather3A_1602 = tpu.vector_load_idx %arg5[%add3A_1601] : memref<1536xf32, #tpu.memory_space<vmem>>[vector<16xi32>], vector<16xf32>,
    %max3A_1603 = arith.constant 0.000000e+00 : f32
    %max3A_1604 = vector.broadcast %max3A_1603 : f32 to vector<16xf32>
    %max3A_1605 = arith.maximumf %gather3A_1602, %max3A_1604 : vector<16xf32>
    %mul3A_1606 = arith.constant 1.000000e+02 : f32
    %mul3A_1607 = vector.broadcast %mul3A_1606 : f32 to vector<16xf32>
    %mul3A_1608 = arith.mulf %max3A_1605, %mul3A_1607 : vector<16xf32>
    %convert_element_type3A_1609 = arith.fptosi %mul3A_1608 : vector<16xf32> to vector<16xi32>
    %min3A_1610 = arith.constant 99 : i32
    %min3A_1611 = vector.broadcast %min3A_1610 : i32 to vector<16xi32>
    %min3A_1612 = arith.minsi %convert_element_type3A_1609, %min3A_1611 : vector<16xi32>
    %mul3A_1613 = arith.constant 100 : i32
    %mul3A_1614 = vector.broadcast %mul3A_1613 : i32 to vector<16xi32>
    %mul3A_1615 = arith.muli %min3A_1598, %mul3A_1614 : vector<16xi32>
    %add3A_1616 = arith.addi %min3A_1584, %mul3A_1615 : vector<16xi32>
    %mul3A_1617 = arith.constant 10000 : i32
    %mul3A_1618 = vector.broadcast %mul3A_1617 : i32 to vector<16xi32>
    %mul3A_1619 = arith.muli %min3A_1612, %mul3A_1618 : vector<16xi32>
    %add3A_1620 = arith.addi %add3A_1616, %mul3A_1619 : vector<16xi32>
    %swap3A_1621 = arith.constant 96 : index
    %swap3A_1622 = tpu.vector_load %arg9[%swap3A_1621] {strides = array<i32>} : memref<128xi32, #tpu.memory_space<vmem>>, vector<16xi32>,
    tpu.vector_store %arg9[%swap3A_1621], %add3A_1620 {strides = array<i32>} : memref<128xi32, #tpu.memory_space<vmem>>, vector<16xi32>,
    %add3A_1623 = arith.constant 1488 : i32
    %add3A_1624 = vector.broadcast %add3A_1623 : i32 to vector<16xi32>
    %add3A_1625 = arith.addi %mul3A_7, %add3A_1624 : vector<16xi32>
    %gather3A_1626 = tpu.vector_load_idx %arg5[%add3A_1625] : memref<1536xf32, #tpu.memory_space<vmem>>[vector<16xi32>], vector<16xf32>,
    %max3A_1627 = arith.constant 0.000000e+00 : f32
    %max3A_1628 = vector.broadcast %max3A_1627 : f32 to vector<16xf32>
    %max3A_1629 = arith.maximumf %gather3A_1626, %max3A_1628 : vector<16xf32>
    %mul3A_1630 = arith.constant 1.000000e+02 : f32
    %mul3A_1631 = vector.broadcast %mul3A_1630 : f32 to vector<16xf32>
    %mul3A_1632 = arith.mulf %max3A_1629, %mul3A_1631 : vector<16xf32>
    %convert_element_type3A_1633 = arith.fptosi %mul3A_1632 : vector<16xf32> to vector<16xi32>
    %min3A_1634 = arith.constant 99 : i32
    %min3A_1635 = vector.broadcast %min3A_1634 : i32 to vector<16xi32>
    %min3A_1636 = arith.minsi %convert_element_type3A_1633, %min3A_1635 : vector<16xi32>
    %add3A_1637 = arith.constant 1489 : i32
    %add3A_1638 = vector.broadcast %add3A_1637 : i32 to vector<16xi32>
    %add3A_1639 = arith.addi %mul3A_7, %add3A_1638 : vector<16xi32>
    %gather3A_1640 = tpu.vector_load_idx %arg5[%add3A_1639] : memref<1536xf32, #tpu.memory_space<vmem>>[vector<16xi32>], vector<16xf32>,
    %max3A_1641 = arith.constant 0.000000e+00 : f32
    %max3A_1642 = vector.broadcast %max3A_1641 : f32 to vector<16xf32>
    %max3A_1643 = arith.maximumf %gather3A_1640, %max3A_1642 : vector<16xf32>
    %mul3A_1644 = arith.constant 1.000000e+02 : f32
    %mul3A_1645 = vector.broadcast %mul3A_1644 : f32 to vector<16xf32>
    %mul3A_1646 = arith.mulf %max3A_1643, %mul3A_1645 : vector<16xf32>
    %convert_element_type3A_1647 = arith.fptosi %mul3A_1646 : vector<16xf32> to vector<16xi32>
    %min3A_1648 = arith.constant 99 : i32
    %min3A_1649 = vector.broadcast %min3A_1648 : i32 to vector<16xi32>
    %min3A_1650 = arith.minsi %convert_element_type3A_1647, %min3A_1649 : vector<16xi32>
    %add3A_1651 = arith.constant 1490 : i32
    %add3A_1652 = vector.broadcast %add3A_1651 : i32 to vector<16xi32>
    %add3A_1653 = arith.addi %mul3A_7, %add3A_1652 : vector<16xi32>
    %gather3A_1654 = tpu.vector_load_idx %arg5[%add3A_1653] : memref<1536xf32, #tpu.memory_space<vmem>>[vector<16xi32>], vector<16xf32>,
    %max3A_1655 = arith.constant 0.000000e+00 : f32
    %max3A_1656 = vector.broadcast %max3A_1655 : f32 to vector<16xf32>
    %max3A_1657 = arith.maximumf %gather3A_1654, %max3A_1656 : vector<16xf32>
    %mul3A_1658 = arith.constant 1.000000e+02 : f32
    %mul3A_1659 = vector.broadcast %mul3A_1658 : f32 to vector<16xf32>
    %mul3A_1660 = arith.mulf %max3A_1657, %mul3A_1659 : vector<16xf32>
    %convert_element_type3A_1661 = arith.fptosi %mul3A_1660 : vector<16xf32> to vector<16xi32>
    %min3A_1662 = arith.constant 99 : i32
    %min3A_1663 = vector.broadcast %min3A_1662 : i32 to vector<16xi32>
    %min3A_1664 = arith.minsi %convert_element_type3A_1661, %min3A_1663 : vector<16xi32>
    %mul3A_1665 = arith.constant 100 : i32
    %mul3A_1666 = vector.broadcast %mul3A_1665 : i32 to vector<16xi32>
    %mul3A_1667 = arith.muli %min3A_1650, %mul3A_1666 : vector<16xi32>
    %add3A_1668 = arith.addi %min3A_1636, %mul3A_1667 : vector<16xi32>
    %mul3A_1669 = arith.constant 10000 : i32
    %mul3A_1670 = vector.broadcast %mul3A_1669 : i32 to vector<16xi32>
    %mul3A_1671 = arith.muli %min3A_1664, %mul3A_1670 : vector<16xi32>
    %add3A_1672 = arith.addi %add3A_1668, %mul3A_1671 : vector<16xi32>
    %swap3A_1673 = arith.constant 112 : index
    %swap3A_1674 = tpu.vector_load %arg9[%swap3A_1673] {strides = array<i32>} : memref<128xi32, #tpu.memory_space<vmem>>, vector<16xi32>,
    tpu.vector_store %arg9[%swap3A_1673], %add3A_1672 {strides = array<i32>} : memref<128xi32, #tpu.memory_space<vmem>>, vector<16xi32>,
    %dma_start3A_1675 = arith.constant 0 : i32
    %dma_start3A_1676 = arith.constant 0 : i32
    %dma_start3A_1677 = tpu.memref_slice %arg3[%dma_start3A_1675, %dma_start3A_1676] : memref<1000001x16xf32, #tpu.memory_space<hbm>> -> memref<1000001x16xf32, #tpu.memory_space<hbm>>
    tpu.enqueue_indirect_dma source(%dma_start3A_1677 : memref<1000001x16xf32, #tpu.memory_space<hbm>>) target(%arg13 : memref<128x16xf32, #tpu.memory_space<vmem>>) offsets(%arg9 : memref<128xi32, #tpu.memory_space<vmem>>) semaphore(%arg14 : memref<!tpu.dma_semaphore, #tpu.memory_space<semaphore_mem>>)
    %dma_wait3A = arith.constant 0 : i32
    %dma_wait3A_1678 = arith.constant 0 : i32
    %dma_wait3A_1679 = tpu.memref_slice %arg3[%dma_wait3A, %dma_wait3A_1678] : memref<1000001x16xf32, #tpu.memory_space<hbm>> -> memref<1000001x16xf32, #tpu.memory_space<hbm>>
    tpu.wait_indirect_dma semaphore(%arg14 : memref<!tpu.dma_semaphore, #tpu.memory_space<semaphore_mem>>) src(%dma_wait3A_1679 : memref<1000001x16xf32, #tpu.memory_space<hbm>>) dst(%arg10 : memref<128x16xf32, #tpu.memory_space<vmem>>)
    %add3A_1680 = arith.constant 0 : i32
    %add3A_1681 = arith.addi %mul3A_2, %add3A_1680 : i32
    "tpu.region"() ({
      %run_scoped3A = tpu.sem_alloc : memref<!tpu.dma_semaphore, #tpu.memory_space<semaphore_mem>>
      %dma_start3A_1697 = arith.constant 0 : i32
      %dma_start3A_1698 = tpu.memref_slice %arg4[%add3A_1681, %dma_start3A_1697] : memref<16384x16xf32, #tpu.memory_space<hbm>> -> memref<128x16xf32, #tpu.memory_space<hbm>>
      %dma_start3A_1699 = arith.constant 0 : i32
      %dma_start3A_1700 = tpu.memref_slice %arg4[%add3A_1681, %dma_start3A_1699] : memref<16384x16xf32, #tpu.memory_space<hbm>> -> memref<128x16xf32, #tpu.memory_space<hbm>>
      tpu.enqueue_dma source(%arg10 : memref<128x16xf32, #tpu.memory_space<vmem>>) target(%dma_start3A_1700 : memref<128x16xf32, #tpu.memory_space<hbm>>) target_semaphore(%run_scoped3A : memref<!tpu.dma_semaphore, #tpu.memory_space<semaphore_mem>>)
      %dma_wait3A_1701 = arith.constant 0 : i32
      %dma_wait3A_1702 = tpu.memref_slice %arg4[%add3A_1681, %dma_wait3A_1701] : memref<16384x16xf32, #tpu.memory_space<hbm>> -> memref<128x16xf32, #tpu.memory_space<hbm>>
      %dma_wait3A_1703 = arith.constant 0 : i32
      %dma_wait3A_1704 = tpu.memref_slice %arg4[%add3A_1681, %dma_wait3A_1703] : memref<16384x16xf32, #tpu.memory_space<hbm>> -> memref<128x16xf32, #tpu.memory_space<hbm>>
      tpu.wait_dma2 semaphore(%run_scoped3A : memref<!tpu.dma_semaphore, #tpu.memory_space<semaphore_mem>>) src(%arg10 : memref<128x16xf32, #tpu.memory_space<vmem>>) dst(%dma_wait3A_1704 : memref<128x16xf32, #tpu.memory_space<hbm>>)
      tpu.yield
    }) : () -> ()
    %dma_wait3A_1682 = arith.constant 0 : i32
    %dma_wait3A_1683 = arith.constant 0 : i32
    %dma_wait3A_1684 = tpu.memref_slice %arg3[%dma_wait3A_1682, %dma_wait3A_1683] : memref<1000001x16xf32, #tpu.memory_space<hbm>> -> memref<1000001x16xf32, #tpu.memory_space<hbm>>
    tpu.wait_indirect_dma semaphore(%arg14 : memref<!tpu.dma_semaphore, #tpu.memory_space<semaphore_mem>>) src(%dma_wait3A_1684 : memref<1000001x16xf32, #tpu.memory_space<hbm>>) dst(%arg11 : memref<128x16xf32, #tpu.memory_space<vmem>>)
    %add3A_1685 = arith.constant 128 : i32
    %add3A_1686 = arith.addi %mul3A_2, %add3A_1685 : i32
    "tpu.region"() ({
      %run_scoped3A = tpu.sem_alloc : memref<!tpu.dma_semaphore, #tpu.memory_space<semaphore_mem>>
      %dma_start3A_1697 = arith.constant 0 : i32
      %dma_start3A_1698 = tpu.memref_slice %arg4[%add3A_1686, %dma_start3A_1697] : memref<16384x16xf32, #tpu.memory_space<hbm>> -> memref<128x16xf32, #tpu.memory_space<hbm>>
      %dma_start3A_1699 = arith.constant 0 : i32
      %dma_start3A_1700 = tpu.memref_slice %arg4[%add3A_1686, %dma_start3A_1699] : memref<16384x16xf32, #tpu.memory_space<hbm>> -> memref<128x16xf32, #tpu.memory_space<hbm>>
      tpu.enqueue_dma source(%arg11 : memref<128x16xf32, #tpu.memory_space<vmem>>) target(%dma_start3A_1700 : memref<128x16xf32, #tpu.memory_space<hbm>>) target_semaphore(%run_scoped3A : memref<!tpu.dma_semaphore, #tpu.memory_space<semaphore_mem>>)
      %dma_wait3A_1701 = arith.constant 0 : i32
      %dma_wait3A_1702 = tpu.memref_slice %arg4[%add3A_1686, %dma_wait3A_1701] : memref<16384x16xf32, #tpu.memory_space<hbm>> -> memref<128x16xf32, #tpu.memory_space<hbm>>
      %dma_wait3A_1703 = arith.constant 0 : i32
      %dma_wait3A_1704 = tpu.memref_slice %arg4[%add3A_1686, %dma_wait3A_1703] : memref<16384x16xf32, #tpu.memory_space<hbm>> -> memref<128x16xf32, #tpu.memory_space<hbm>>
      tpu.wait_dma2 semaphore(%run_scoped3A : memref<!tpu.dma_semaphore, #tpu.memory_space<semaphore_mem>>) src(%arg11 : memref<128x16xf32, #tpu.memory_space<vmem>>) dst(%dma_wait3A_1704 : memref<128x16xf32, #tpu.memory_space<hbm>>)
      tpu.yield
    }) : () -> ()
    %dma_wait3A_1687 = arith.constant 0 : i32
    %dma_wait3A_1688 = arith.constant 0 : i32
    %dma_wait3A_1689 = tpu.memref_slice %arg3[%dma_wait3A_1687, %dma_wait3A_1688] : memref<1000001x16xf32, #tpu.memory_space<hbm>> -> memref<1000001x16xf32, #tpu.memory_space<hbm>>
    tpu.wait_indirect_dma semaphore(%arg14 : memref<!tpu.dma_semaphore, #tpu.memory_space<semaphore_mem>>) src(%dma_wait3A_1689 : memref<1000001x16xf32, #tpu.memory_space<hbm>>) dst(%arg12 : memref<128x16xf32, #tpu.memory_space<vmem>>)
    %add3A_1690 = arith.constant 256 : i32
    %add3A_1691 = arith.addi %mul3A_2, %add3A_1690 : i32
    "tpu.region"() ({
      %run_scoped3A = tpu.sem_alloc : memref<!tpu.dma_semaphore, #tpu.memory_space<semaphore_mem>>
      %dma_start3A_1697 = arith.constant 0 : i32
      %dma_start3A_1698 = tpu.memref_slice %arg4[%add3A_1691, %dma_start3A_1697] : memref<16384x16xf32, #tpu.memory_space<hbm>> -> memref<128x16xf32, #tpu.memory_space<hbm>>
      %dma_start3A_1699 = arith.constant 0 : i32
      %dma_start3A_1700 = tpu.memref_slice %arg4[%add3A_1691, %dma_start3A_1699] : memref<16384x16xf32, #tpu.memory_space<hbm>> -> memref<128x16xf32, #tpu.memory_space<hbm>>
      tpu.enqueue_dma source(%arg12 : memref<128x16xf32, #tpu.memory_space<vmem>>) target(%dma_start3A_1700 : memref<128x16xf32, #tpu.memory_space<hbm>>) target_semaphore(%run_scoped3A : memref<!tpu.dma_semaphore, #tpu.memory_space<semaphore_mem>>)
      %dma_wait3A_1701 = arith.constant 0 : i32
      %dma_wait3A_1702 = tpu.memref_slice %arg4[%add3A_1691, %dma_wait3A_1701] : memref<16384x16xf32, #tpu.memory_space<hbm>> -> memref<128x16xf32, #tpu.memory_space<hbm>>
      %dma_wait3A_1703 = arith.constant 0 : i32
      %dma_wait3A_1704 = tpu.memref_slice %arg4[%add3A_1691, %dma_wait3A_1703] : memref<16384x16xf32, #tpu.memory_space<hbm>> -> memref<128x16xf32, #tpu.memory_space<hbm>>
      tpu.wait_dma2 semaphore(%run_scoped3A : memref<!tpu.dma_semaphore, #tpu.memory_space<semaphore_mem>>) src(%arg12 : memref<128x16xf32, #tpu.memory_space<vmem>>) dst(%dma_wait3A_1704 : memref<128x16xf32, #tpu.memory_space<hbm>>)
      tpu.yield
    }) : () -> ()
    %dma_wait3A_1692 = arith.constant 0 : i32
    %dma_wait3A_1693 = arith.constant 0 : i32
    %dma_wait3A_1694 = tpu.memref_slice %arg3[%dma_wait3A_1692, %dma_wait3A_1693] : memref<1000001x16xf32, #tpu.memory_space<hbm>> -> memref<1000001x16xf32, #tpu.memory_space<hbm>>
    tpu.wait_indirect_dma semaphore(%arg14 : memref<!tpu.dma_semaphore, #tpu.memory_space<semaphore_mem>>) src(%dma_wait3A_1694 : memref<1000001x16xf32, #tpu.memory_space<hbm>>) dst(%arg13 : memref<128x16xf32, #tpu.memory_space<vmem>>)
    %add3A_1695 = arith.constant 384 : i32
    %add3A_1696 = arith.addi %mul3A_2, %add3A_1695 : i32
    "tpu.region"() ({
      %run_scoped3A = tpu.sem_alloc : memref<!tpu.dma_semaphore, #tpu.memory_space<semaphore_mem>>
      %dma_start3A_1697 = arith.constant 0 : i32
      %dma_start3A_1698 = tpu.memref_slice %arg4[%add3A_1696, %dma_start3A_1697] : memref<16384x16xf32, #tpu.memory_space<hbm>> -> memref<128x16xf32, #tpu.memory_space<hbm>>
      %dma_start3A_1699 = arith.constant 0 : i32
      %dma_start3A_1700 = tpu.memref_slice %arg4[%add3A_1696, %dma_start3A_1699] : memref<16384x16xf32, #tpu.memory_space<hbm>> -> memref<128x16xf32, #tpu.memory_space<hbm>>
      tpu.enqueue_dma source(%arg13 : memref<128x16xf32, #tpu.memory_space<vmem>>) target(%dma_start3A_1700 : memref<128x16xf32, #tpu.memory_space<hbm>>) target_semaphore(%run_scoped3A : memref<!tpu.dma_semaphore, #tpu.memory_space<semaphore_mem>>)
      %dma_wait3A_1701 = arith.constant 0 : i32
      %dma_wait3A_1702 = tpu.memref_slice %arg4[%add3A_1696, %dma_wait3A_1701] : memref<16384x16xf32, #tpu.memory_space<hbm>> -> memref<128x16xf32, #tpu.memory_space<hbm>>
      %dma_wait3A_1703 = arith.constant 0 : i32
      %dma_wait3A_1704 = tpu.memref_slice %arg4[%add3A_1696, %dma_wait3A_1703] : memref<16384x16xf32, #tpu.memory_space<hbm>> -> memref<128x16xf32, #tpu.memory_space<hbm>>
      tpu.wait_dma2 semaphore(%run_scoped3A : memref<!tpu.dma_semaphore, #tpu.memory_space<semaphore_mem>>) src(%arg13 : memref<128x16xf32, #tpu.memory_space<vmem>>) dst(%dma_wait3A_1704 : memref<128x16xf32, #tpu.memory_space<hbm>>)
      tpu.yield
    }) : () -> ()
    return
  }
}

</mosaic_0001>

<sc_bundles>
// kernel: kernel.3.cloned.1.call-start
scs
__scs_entry_jumppad:
0x0: {  	(pc) =	sbr.rel $0x88, $3  }
0x1: {  	(tag) =	ssettag $0x0;
	lr =	simm.s32 $0x1  }
0x2: {  	[smem:$0x3F9F] =	sst lr;
	_ =	strace $0xD0000000  }
0x3: {  	_ = 	snop  }
0x4: {  	_ = 	snop  }
0x5: {  	_ = 	snop  }
0x6: {  	_ = 	snop  }
0x7: {  	_ = 	snop  }
__scs_overlays_trampoline_lowered:
0x8: {  	[smem:$0x3FAE] =	sst s0  }
0x9: {  	[smem:$0x3FAF] =	sst s1  }
0xa: {  	[smem:$0x3FB0] =	sst s2  }
0xb: {  	[smem:$0x3FB1] =	sst s3  }
0xc: {  	[smem:$0x3FB2] =	sst s4  }
0xd: {  	[smem:$0x3FB3] =	sst s5  }
0xe: {  	[smem:$0x3FB4] =	sst s6  }
0xf: {  	[smem:$0x3FB5] =	sst s7  }
0x10: {  	[smem:$0x3FB6] =	sst s8  }
0x11: {  	[smem:$0x3FB7] =	sst s9;
	s0 =	simm.s32 @!p0 $0x0  }
0x12: {  	s1 =	sld [smem:$0x3F9D];
	s0 =	simm.s32 @p0 $0x1  }
0x13: {  	[smem:$0x3FB8] =	sst s0;
	s0 =	simm.s32 @!p1 $0x0  }
0x14: {  	s2 =	sld [smem:$0x3F9C];
	s0 =	simm.s32 @p1 $0x1  }
0x15: {  	[smem:$0x3FB9] =	sst s0;
	s0 =	simm.s32 @!p2 $0x0  }
0x16: {  	s3 =	sld [smem:$0x3FDB];
	s0 =	simm.s32 @p2 $0x1  }
0x17: {  	s4 =	simm.s32 $0x1BF5;
	[smem:$0x3FBB] =	sst s0  }
0x18: {  	s0 =	sld [smem:$0x3F9E];
	_ =	swait.ge [sflag:s4], $0x0  }
0x19: {  	s7 =	sld [smem:$0x3F9F]  }
0x1a: {  	s8 =	sadd.s32 $0xFFFFE003, lr  }
0x1b: {  	s9 =	sadd.s32 $0xFFFFFEF7, lr;
	s5 =	simm.s32 $0xFFFFFFFF;
	p2 =	slt.u32 s8, $0xFFFFF086  }
0x1c: {  	p1 =	slt.u32 s9, $0xF7A;
	s5 =	simm.s32 @!p2 $0x0  }
0x1d: {  	s5 =	simm.s32 @p1 $0x1;
	p0 =	seq.s32 s7, s2  }
0x1e: {  	s7 =	smul.u32 @!p0 $0xF7A, s2;
	p2 =	seq.s32 @!p0 s5, $0x0  }
0x1f: {  	s9 =	smul.u32 $0xF7A, s1;
	s8 =	simm.s32 @!p0 $0x1BF5;
	p2 =	por !p2, p0  }
0x20: {  	[sflag:s8] =	ssyncset.s32 @!p0 $0xFFFFF086;
	s6 =	sadd.s32 @!p0 s3, s7;
	s7 =	simm.s32 @!p0 $0x108  }
0x21: {  	s3 =	sadd.s32 s3, s9;
	s6 =	sadd.s32 @!p0 $0x88, s6;
	s7 =	simm.s32 @p2 $0x1082  }
0x22: {  	[simem:s7], [sflag:s8] =	dma.local @!p0 [hbm:s6], $0xF7A  }
0x23: {  	s9 =	sor.u32 $0xD0000000, s2;
	s6 =	simm.s32 $0x108;
	_ =	swait.ge @!p0 [sflag:s8], $0x0  }
0x24: {  	s3 =	sadd.s32 $0x88, s3;
	s6 =	simm.s32 @!p1 $0x1082;
	[sflag:s4] =	ssyncset.s32 $0xFFFFF086  }
0x25: {  	[simem:s6], [sflag:s4] =	dma.local [hbm:s3], $0xF7A  }
0x26: {  	[smem:$0x3F9F] =	sst s1;
	(tag) =	ssettag s2;
	_ =	strace s9  }
0x27: {  	s1 =	sld [smem:$0x3FAF]  }
0x28: {  	s2 =	sld [smem:$0x3FB0]  }
0x29: {  	s4 =	sld [smem:$0x3FB2]  }
0x2a: {  	p0 =	seq.s32 s5, $0x0;
	s5 =	sld [smem:$0x3FB3]  }
0x2b: {  	s6 =	sld [smem:$0x3FB4]  }
0x2c: {  	s7 =	sld [smem:$0x3FB5]  }
0x2d: {  	s3 =	simm.s32 $0x108;
	s8 =	sld [smem:$0x3FB6]  }
0x2e: {  	s3 =	simm.s32 @!p0 $0x1082;
	s9 =	sld [smem:$0x3FB7]  }
0x2f: {  	lr =	sadd.s32 s0, s3;
	s0 =	sld [smem:$0x3FAE]  }
0x30: {  	s3 =	sld [smem:$0x3FB1]  }
0x31: {  	[smem:$0x3FBA] =	sst s10  }
0x32: {  	s10 =	sld [smem:$0x3FB8];
	_ =	sdelay $0x3  }
0x33: {  	p0 =	seq.s32 s10, $0x1;
	s10 =	sld [smem:$0x3FBA];
	_ =	sdelay $0x3  }
0x34: {  	[smem:$0x3FBA] =	sst s10  }
0x35: {  	s10 =	sld [smem:$0x3FB9];
	_ =	sdelay $0x3  }
0x36: {  	p1 =	seq.s32 s10, $0x1;
	s10 =	sld [smem:$0x3FBA];
	_ =	sdelay $0x3  }
0x37: {  	[smem:$0x3FBA] =	sst s10  }
0x38: {  	s10 =	sld [smem:$0x3FBB]  }
0x39: {  	_ = 	snop;
	(pc) =	sbr.ind lr, $3  }
0x3a: {  	_ = 	snop  }
0x3b: {  	_ = 	snop  }
0x3c: {  	p2 =	seq.s32 s10, $0x1;
	s10 =	sld [smem:$0x3FBA]  }
0x3d: {  	_ =	shalt  }
0x3e: {  	_ =	shalt  }
0x3f: {  	_ =	shalt  }
0x40: {  	_ =	shalt  }
0x41: {  	_ =	shalt  }
0x42: {  	_ =	shalt  }
0x43: {  	_ =	shalt  }
0x44: {  	_ =	shalt  }
0x45: {  	_ =	shalt  }
0x46: {  	_ =	shalt  }
0x47: {  	_ =	shalt  }
0x48: {  	_ =	shalt  }
0x49: {  	_ =	shalt  }
0x4a: {  	_ =	shalt  }
0x4b: {  	_ =	shalt  }
0x4c: {  	_ =	shalt  }
0x4d: {  	_ =	shalt  }
0x4e: {  	_ =	shalt  }
0x4f: {  	_ =	shalt  }
0x50: {  	_ =	shalt  }
0x51: {  	_ =	shalt  }
0x52: {  	_ =	shalt  }
0x53: {  	_ =	shalt  }
0x54: {  	_ =	shalt  }
0x55: {  	_ =	shalt  }
0x56: {  	_ =	shalt  }
0x57: {  	_ =	shalt  }
0x58: {  	_ =	shalt  }
0x59: {  	_ =	shalt  }
0x5a: {  	_ =	shalt  }
0x5b: {  	_ =	shalt  }
0x5c: {  	_ =	shalt  }
0x5d: {  	_ =	shalt  }
0x5e: {  	_ =	shalt  }
0x5f: {  	_ =	shalt  }
0x60: {  	_ =	shalt  }
0x61: {  	_ =	shalt  }
0x62: {  	_ =	shalt  }
0x63: {  	_ =	shalt  }
0x64: {  	_ =	shalt  }
0x65: {  	_ =	shalt  }
0x66: {  	_ =	shalt  }
0x67: {  	_ =	shalt  }
0x68: {  	_ =	shalt  }
0x69: {  	_ =	shalt  }
0x6a: {  	_ =	shalt  }
0x6b: {  	_ =	shalt  }
0x6c: {  	_ =	shalt  }
0x6d: {  	_ =	shalt  }
0x6e: {  	_ =	shalt  }
0x6f: {  	_ =	shalt  }
0x70: {  	_ =	shalt  }
0x71: {  	_ =	shalt  }
0x72: {  	_ =	shalt  }
0x73: {  	_ =	shalt  }
0x74: {  	_ =	shalt  }
0x75: {  	_ =	shalt  }
0x76: {  	_ =	shalt  }
0x77: {  	_ =	shalt  }
0x78: {  	_ =	shalt  }
0x79: {  	_ =	shalt  }
0x7a: {  	_ =	shalt  }
0x7b: {  	_ =	shalt  }
0x7c: {  	_ =	shalt  }
0x7d: {  	_ =	shalt  }
0x7e: {  	_ =	shalt  }
0x7f: {  	_ =	shalt  }
0x80: {  	_ =	shalt  }
0x81: {  	_ =	shalt  }
0x82: {  	_ =	shalt  }
0x83: {  	_ =	shalt  }
0x84: {  	_ =	shalt  }
0x85: {  	_ =	shalt  }
0x86: {  	_ =	shalt  }
0x87: {  	_ =	shalt  }
.Lfunc_end0:
.L_simem_size_0:
called_computation_lowered:
.L_overlay_start_0:
0x88: {  	s2 =	sld [smem:$0x3FD9]  }
0x89: {  	s3 =	sld [smem:$0x3FFE];
	_ =	sdelay $0x1  }
0x8a: {  	s1 =	srdreg.scid  }
0x8b: {  	s0 =	sand.u32 $0x1, s1  }
0x8c: {  	s17 =	sshll.u32 s0, $0xA;
	s2 =	sadd.s32 s3, s2  }
0x8d: {  	s2 =	sadd.s32 s2, s17  }
0x8e: {  	[smem:$0x3FC6] =	sst s2  }
0x8f: {  	_ = 	snop  }
0x90: {  	s2 =	sld [smem:$0x3FD0];
	(tm) =	ssettm $0x1  }
0x91: {  	s18 =	sld [smem:$0x3FFB];
	_ =	sdelay $0x3  }
0x92: {  	_ =	strace s18  }
0x93: {  	s3 =	sld [smem:$0x3FFC];
	_ =	sdelay $0x3  }
0x94: {  	_ =	strace s3  }
0x95: {  	s3 =	sld [smem:$0x3FFD];
	_ =	sdelay $0x3  }
0x96: {  	_ =	strace s3  }
0x97: {  	_ =	strace $0x8FFFFFFF  }
0x98: {  	s19 =	sld [smem:$0x3FDB];
	_ =	sdelay $0x1  }
0x99: {  	s4 =	simm.s32 $_scs_section_size  }
0x9a: {  	s5 =	simm.s32 $_size__tile_overlayer_lowered;
	s6 =	simm.s32 $_tile_overlayer_lowered  }
0x9b: {  	s22 =	simm.s32 $0x1BFF;
	s21 =	sshll.u32 s6, $0x1;
	s3 =	sadd.s32 s4, s19  }
0x9c: {  	s7 =	simm.s32 $0x0;
	s20 =	sshll.u32 s5, $0x1;
	s5 =	sadd.s32 s21, s3  }
0x9d: {  	[timem:s7], [sflag:s22] =	dma.local [hbm:s5], s20  }
0x9e: {  	_ =	swait.ge [sflag:s22], s20  }
0x9f: {  	s4 =	ssub.s32 $0x0, s20;
	[sflag:s22] =	ssyncset.done $0x0  }
0xa0: {  	[sflag:s22] =	ssyncadd.s32 s4;
	_ =	sdelay $0x1  }
0xa1: {  	s23 =	simm.s32 $0x1B8B  }
0xa2: {  	_ =	swait.ge [sflag:s23], $0x1  }
0xa3: {  	[sflag:s23] =	ssyncset.done $0x0  }
0xa4: {  	s25 =	simm.s32 $0x1B8E;
	s24 =	sld [smem:$0x3FFE];
	[sflag:s23] =	ssyncadd.s32 $0xFFFFFFFF  }
0xa5: {  	s26 =	simm.s32 $execute0_lowered;
	[smem:$0x3FD2] =	sst s25  }
0xa6: {  	s5 =	sshll.u32 s26, $0x1;
	_ =	strace $0x80000046;
	[dreg:$0x1] =	wrdreg $0xFFFFFFFF  }
0xa7: {  	s28 =	simm.s32 $_size_execute0_lowered;
	s3 =	sadd.s32 s3, s5;
	[dreg:$0x0] =	wrdreg $0x0  }
0xa8: {  	s5 =	sshll.u32 s28, $0x1;
	[dreg:$0x2] =	wrdreg s3  }
0xa9: {  	[dreg:$0x3] =	wrdreg s5  }
0xaa: {  	[dreg:$0x4] =	wrdreg $0xC0  }
0xab: {  	_ =	task [dreg:s7], $0x5FFFF  }
0xac: {  	[dreg:$0x1] =	wrdreg $0xFFFFFFFF  }
0xad: {  	[dreg:$0x0] =	wrdreg $0x60  }
0xae: {  	[dreg:$0x2] =	wrdreg s24  }
0xaf: {  	[dreg:$0x3] =	wrdreg s2  }
0xb0: {  	[dreg:$0x4] =	wrdreg $0x9  }
0xb1: {  	_ =	task.clear_ibuf [dreg:s7], $0x5FFFF;
	_ =	strace $0x90000046  }
0xb2: {  	s29 =	simm.s32 $0x9;
	_ =	strace $0x80000048  }
0xb3: {  	_ =	swait.ge [sflag:s29], $0x1  }
0xb4: {  	[sflag:s29] =	ssyncadd.s32 $0xFFFFFFFF  }
0xb5: {  	_ =	strace $0x90000048  }
0xb6: {  	_ =	sfence  }
0xb7: {  	s30 =	sld [smem:$0x0];
	_ =	sdelay $0x2  }
0xb8: {  	s31 =	sshll.u32 s1, $0xD;
	s1 =	sshrl.u32 s1, $0x2  }
0xb9: {  	s3 =	sand.u32 $0x4000, s31;
	s1 =	sadd.s32 s1, s30  }
0xba: {  	s0 =	sor.u32 s3, s0;
	s1 =	sshll.u32 s1, $0x11  }
0xbb: {  	s0 =	sor.u32 s1, s0  }
0xbc: {  	s0 =	sadd.s32 $0x8F2B, s0  }
0xbd: {  	[sflag:s0] =	ssyncadd.remote.s32 $0x1  }
0xbe: {  	_ =	sfence.sel $0xFFFF  }
0xbf: {  	[dreg:$0x0] =	wrdreg $0xFFFFFFFF;
	(pc) =	sbr.abs _section_cstart, $3  }
0xc0: {  	[dreg:$0x1] =	wrdreg $0xFFFFFFFF  }
0xc1: {  	_ =	task.clear_ibuf [dreg:s7], $0x2FFFF;
	_ =	strace $0x9FFFFFFF  }
0xc2: {  	(tm) =	ssettm $0x7FFFFFFF  }
0xc3: {  	_ =	shalt  }
tec
execute0_lowered:
.L_overlay_start_1:
0x0: {  	(tag) =	ssettag $0x1  }
0x1: {  	v0 =	vlaneseq.u32  }
0x2: {  	v0 =	vmul.u32 $0x3, v0;
	_ =	sdelay $0x1  }
0x3: {  	v1 =	vadd.s32 $0x1, v0  }
0x4: {  	v6 =	vadd.s32 $0x60, v0;
	v7 =	vadd.s32 $0x61, v0;
	v8 =	vadd.s32 $0x62, v0  }
0x5: {  	v9 =	vadd.s32 $0x90, v0;
	v10 =	vadd.s32 $0x91, v0;
	v11 =	vadd.s32 $0x92, v0  }
0x6: {  	v12 =	vor.u32 $0xC0, v0;
	v13 =	vadd.s32 $0xC1, v0;
	v14 =	vadd.s32 $0xC2, v0  }
0x7: {  	v15 =	vadd.s32 $0xF0, v0;
	v16 =	vadd.s32 $0xF1, v0;
	v17 =	vadd.s32 $0xF2, v0  }
0x8: {  	v18 =	vadd.s32 $0x120, v0;
	v19 =	vadd.s32 $0x121, v0;
	v20 =	vadd.s32 $0x122, v0  }
0x9: {  	v21 =	vadd.s32 $0x150, v0;
	v22 =	vadd.s32 $0x151, v0;
	v23 =	vadd.s32 $0x152, v0  }
0xa: {  	v24 =	vor.u32 $0x180, v0;
	v25 =	vadd.s32 $0x181, v0;
	v26 =	vadd.s32 $0x182, v0  }
0xb: {  	v27 =	vadd.s32 $0x1B0, v0;
	v28 =	vadd.s32 $0x1B1, v0;
	v29 =	vadd.s32 $0x1B2, v0  }
0xc: {  	v30 =	vadd.s32 $0x1E0, v0;
	v31 =	vadd.s32 $0x1E1, v0;
	v32 =	vadd.s32 $0x1E2, v0  }
0xd: {  	s1 =	srdreg.scid;
	s3 =	rddreg [dreg:$0x0];
	v33 =	vadd.s32 $0x210, v0;
	v34 =	vadd.s32 $0x211, v0;
	v35 =	vadd.s32 $0x212, v0  }
0xe: {  	s0 =	stileid.u32;
	s5 =	rddreg [dreg:$0x1];
	s2 =	simm.s32 $0x0;
	v36 =	vor.u32 $0x240, v0;
	v37 =	vadd.s32 $0x241, v0;
	v38 =	vadd.s32 $0x242, v0  }
0xf: {  	s10 =	simm.s32 $0x2;
	s11 =	simm.s32 $0x80;
	s12 =	simm.s32 $0x600;
	v39 =	vadd.s32 $0x270, v0;
	v40 =	vadd.s32 $0x271, v0;
	v41 =	vadd.s32 $0x272, v0  }
0x10: {  	s13 =	simm.s32 $0x800;
	s14 =	simm.s32 $0x680;
	s15 =	simm.s32 $0x1000;
	v42 =	vadd.s32 $0x2A0, v0;
	v43 =	vadd.s32 $0x2A1, v0;
	v44 =	vadd.s32 $0x2A2, v0  }
0x11: {  	s16 =	simm.s32 $0x700;
	s17 =	simm.s32 $0x1800;
	s18 =	simm.s32 $0x780;
	v45 =	vadd.s32 $0x2D0, v0;
	v46 =	vadd.s32 $0x2D1, v0;
	v47 =	vadd.s32 $0x2D2, v0  }
0x12: {  	s19 =	simm.s32 $0x2000;
	s4 =	sand.u32 $0x1, s1;
	s31 =	sshll.u32 s0, $0x1;
	v48 =	vor.u32 $0x300, v0;
	v49 =	vadd.s32 $0x301, v0;
	v50 =	vadd.s32 $0x302, v0  }
0x13: {  	s20 =	simm.s32 $0x1;
	s6 =	sor.u32 s4, s31;
	s4 =	ssub.s32 $0x2, s4;
	v51 =	vadd.s32 $0x330, v0;
	v52 =	vadd.s32 $0x331, v0;
	[tilespmem:$0x1FFB0] =	vst v1;
	v1 =	vadd.s32 $0x2, v0  }
0x14: {  	s1 =	rddreg [dreg:$0x2];
	s7 =	smul.u32 $0xC0, s6;
	s8 =	sshrl.u32 s4, $0x1;
	v53 =	vadd.s32 $0x332, v0;
	v54 =	vadd.s32 $0x360, v0;
	[tilespmem:$0x1FFC0] =	vst v1;
	v1 =	vadd.s32 $0x30, v0  }
0x15: {  	[smem:$0x7FF] =	sst s2;
	s6 =	sshll.u32 s6, $0xA;
	v55 =	vadd.s32 $0x361, v0;
	v56 =	vadd.s32 $0x362, v0;
	s9 =	ssub.s32 s4, s8;
	[tilespmem:$0x1FFD0] =	vst v1;
	v1 =	vadd.s32 $0x31, v0  }
0x16: {  	v57 =	vadd.s32 $0x390, v0;
	v58 =	vadd.s32 $0x391, v0;
	s5 =	sadd.s32 s5, s6;
	s7 =	sadd.s32 s7, s3;
	s3 =	sadd.s32 $0xF42C00, s3;
	[tilespmem:$0x1FFE0] =	vst v1;
	v1 =	vadd.s32 $0x32, v0  }
0x17: {  	v59 =	vadd.s32 $0x392, v0;
	v60 =	vor.u32 $0x3C0, v0;
	v61 =	vadd.s32 $0x3C1, v0;
	s6 =	sadd.s32 $0x100, s5;
	s8 =	sadd.s32 $0x300, s5;
	s9 =	smax.u32 s9, $0x1;
	[tilespmem:$0x1FFF0] =	vst v1  }
0x18: {  	v62 =	vadd.s32 $0x3C2, v0;
	v63 =	vadd.s32 $0x3F0, v0;
	s4 =	sadd.s32 $0x600, s7;
	s7 =	sadd.s32 $0x200, s5;
	_ =	strace $0x80000047  }
.LBB2_1:
0x19: {  	[tilespmem:s2], [sflag:$0x2] =	stream.linear.gather [hbm4b:s4+s2], $0x600, $0x38;
	[tilespmem:$0x2800] =	vst v63  }
0x1a: {  	_ =	swait.ge [sflag:s10], $0x600  }
0x1b: {  	v1 =	vld [tilespmem:$0x1FFB0]  }
0x1c: {  	v2 =	vld [tilespmem:$0x1FFC0];
	_ =	sdelay $0x4  }
0x1d: {  	[sflag:s10] =	ssyncset.done $0x0  }
0x1e: {  	[sflag:s10] =	ssyncadd.s32 $0xFFFFFA00  }
0x1f: {  	v1 =	vld.idx.msk [tilespmem:v1+s2+$0x0], $0xffff  }
0x20: {  	v2 =	vld.idx.msk [tilespmem:v2+s2+$0x0], $0xffff  }
0x21: {  	v3 =	vld.idx.msk [tilespmem:v0+s2+$0x0], $0xffff;
	_ =	sdelay $0x2  }
0x22: {  	v1 =	vmax.f32 v1, $0.0e+00  }
0x23: {  	v2 =	vmax.f32 v2, $0.0e+00;
	v1 =	vmul.f32 $1.000000000e+02, v1  }
0x24: {  	v3 =	vmax.f32 v3, $0.0e+00;
	v2 =	vmul.f32 $1.000000000e+02, v2  }
0x25: {  	v3 =	vmul.f32 $1.000000000e+02, v3;
	v1 =	vtrunc.f32 v1  }
0x26: {  	v2 =	vtrunc.f32 v2;
	v1 =	vcvt.f32.s32 v1  }
0x27: {  	v3 =	vtrunc.f32 v3;
	v2 =	vcvt.f32.s32 v2  }
0x28: {  	v3 =	vcvt.f32.s32 v3;
	vm0 =	vlt.s32 v1, $0x63  }
0x29: {  	vm6 =	vlt.s32 v2, $0x63;
	v1 =	vnsel vm0, $0x63, v1  }
0x2a: {  	vm1 =	vlt.s32 v3, $0x63;
	v2 =	vnsel vm6, $0x63, v2;
	v1 =	vmul.u32 $0x64, v1  }
0x2b: {  	v3 =	vnsel vm1, $0x63, v3;
	v2 =	vmul.u32 $0x2710, v2  }
0x2c: {  	v1 =	vadd.s32 v3, v1  }
0x2d: {  	v1 =	vadd.s32 v2, v1  }
0x2e: {  	[tilespmem:$0x600] =	vst v1;
	v1 =	vld [tilespmem:$0x1FFE0]  }
0x2f: {  	v2 =	vld [tilespmem:$0x1FFF0]  }
0x30: {  	v3 =	vld [tilespmem:$0x1FFD0];
	_ =	sdelay $0x5  }
0x31: {  	v1 =	vld.idx.msk [tilespmem:v1+s2+$0x0], $0xffff  }
0x32: {  	v2 =	vld.idx.msk [tilespmem:v2+s2+$0x0], $0xffff  }
0x33: {  	v3 =	vld.idx.msk [tilespmem:v3+s2+$0x0], $0xffff;
	_ =	sdelay $0x2  }
0x34: {  	v1 =	vmax.f32 v1, $0.0e+00  }
0x35: {  	v2 =	vmax.f32 v2, $0.0e+00;
	v1 =	vmul.f32 $1.000000000e+02, v1  }
0x36: {  	v3 =	vmax.f32 v3, $0.0e+00;
	v2 =	vmul.f32 $1.000000000e+02, v2  }
0x37: {  	v3 =	vmul.f32 $1.000000000e+02, v3;
	v1 =	vtrunc.f32 v1  }
0x38: {  	v2 =	vtrunc.f32 v2;
	v1 =	vcvt.f32.s32 v1  }
0x39: {  	v3 =	vtrunc.f32 v3;
	v2 =	vcvt.f32.s32 v2  }
0x3a: {  	v3 =	vcvt.f32.s32 v3;
	vm7 =	vlt.s32 v1, $0x63  }
0x3b: {  	vm8 =	vlt.s32 v2, $0x63;
	v1 =	vnsel vm7, $0x63, v1  }
0x3c: {  	vm9 =	vlt.s32 v3, $0x63;
	v2 =	vnsel vm8, $0x63, v2;
	v1 =	vmul.u32 $0x64, v1  }
0x3d: {  	v3 =	vnsel vm9, $0x63, v3;
	v2 =	vmul.u32 $0x2710, v2  }
0x3e: {  	v1 =	vadd.s32 v3, v1  }
0x3f: {  	v1 =	vadd.s32 v2, v1  }
0x40: {  	[tilespmem:$0x610] =	vst v1  }
0x41: {  	v1 =	vld.idx.msk [tilespmem:v7+s2+$0x0], $0xffff  }
0x42: {  	v2 =	vld.idx.msk [tilespmem:v8+s2+$0x0], $0xffff  }
0x43: {  	v3 =	vld.idx.msk [tilespmem:v6+s2+$0x0], $0xffff;
	_ =	sdelay $0x2  }
0x44: {  	v1 =	vmax.f32 v1, $0.0e+00  }
0x45: {  	v2 =	vmax.f32 v2, $0.0e+00;
	v1 =	vmul.f32 $1.000000000e+02, v1  }
0x46: {  	v3 =	vmax.f32 v3, $0.0e+00;
	v2 =	vmul.f32 $1.000000000e+02, v2  }
0x47: {  	v3 =	vmul.f32 $1.000000000e+02, v3;
	v1 =	vtrunc.f32 v1  }
0x48: {  	v2 =	vtrunc.f32 v2;
	v1 =	vcvt.f32.s32 v1  }
0x49: {  	v3 =	vtrunc.f32 v3;
	v2 =	vcvt.f32.s32 v2  }
0x4a: {  	v3 =	vcvt.f32.s32 v3;
	vm10 =	vlt.s32 v1, $0x63  }
0x4b: {  	vm11 =	vlt.s32 v2, $0x63;
	v1 =	vnsel vm10, $0x63, v1  }
0x4c: {  	vm12 =	vlt.s32 v3, $0x63;
	v2 =	vnsel vm11, $0x63, v2;
	v1 =	vmul.u32 $0x64, v1  }
0x4d: {  	v3 =	vnsel vm12, $0x63, v3;
	v2 =	vmul.u32 $0x2710, v2  }
0x4e: {  	v1 =	vadd.s32 v3, v1  }
0x4f: {  	v1 =	vadd.s32 v2, v1  }
0x50: {  	[tilespmem:$0x620] =	vst v1  }
0x51: {  	v1 =	vld.idx.msk [tilespmem:v10+s2+$0x0], $0xffff  }
0x52: {  	v2 =	vld.idx.msk [tilespmem:v11+s2+$0x0], $0xffff  }
0x53: {  	v3 =	vld.idx.msk [tilespmem:v9+s2+$0x0], $0xffff;
	_ =	sdelay $0x2  }
0x54: {  	v1 =	vmax.f32 v1, $0.0e+00  }
0x55: {  	v2 =	vmax.f32 v2, $0.0e+00;
	v1 =	vmul.f32 $1.000000000e+02, v1  }
0x56: {  	v3 =	vmax.f32 v3, $0.0e+00;
	v2 =	vmul.f32 $1.000000000e+02, v2  }
0x57: {  	v3 =	vmul.f32 $1.000000000e+02, v3;
	v1 =	vtrunc.f32 v1  }
0x58: {  	v2 =	vtrunc.f32 v2;
	v1 =	vcvt.f32.s32 v1  }
0x59: {  	v3 =	vtrunc.f32 v3;
	v2 =	vcvt.f32.s32 v2  }
0x5a: {  	v3 =	vcvt.f32.s32 v3;
	vm13 =	vlt.s32 v1, $0x63  }
0x5b: {  	vm14 =	vlt.s32 v2, $0x63;
	v1 =	vnsel vm13, $0x63, v1  }
0x5c: {  	vm15 =	vlt.s32 v3, $0x63;
	v2 =	vnsel vm14, $0x63, v2;
	v1 =	vmul.u32 $0x64, v1  }
0x5d: {  	v3 =	vnsel vm15, $0x63, v3;
	v2 =	vmul.u32 $0x2710, v2  }
0x5e: {  	v1 =	vadd.s32 v3, v1  }
0x5f: {  	v1 =	vadd.s32 v2, v1  }
0x60: {  	[tilespmem:$0x630] =	vst v1  }
0x61: {  	v1 =	vld.idx.msk [tilespmem:v13+s2+$0x0], $0xffff  }
0x62: {  	v2 =	vld.idx.msk [tilespmem:v14+s2+$0x0], $0xffff  }
0x63: {  	v3 =	vld.idx.msk [tilespmem:v12+s2+$0x0], $0xffff;
	_ =	sdelay $0x2  }
0x64: {  	v1 =	vmax.f32 v1, $0.0e+00  }
0x65: {  	v2 =	vmax.f32 v2, $0.0e+00;
	v1 =	vmul.f32 $1.000000000e+02, v1  }
0x66: {  	v3 =	vmax.f32 v3, $0.0e+00;
	v2 =	vmul.f32 $1.000000000e+02, v2  }
0x67: {  	v3 =	vmul.f32 $1.000000000e+02, v3;
	v1 =	vtrunc.f32 v1  }
0x68: {  	v2 =	vtrunc.f32 v2;
	v1 =	vcvt.f32.s32 v1  }
0x69: {  	v3 =	vtrunc.f32 v3;
	v2 =	vcvt.f32.s32 v2  }
0x6a: {  	v3 =	vcvt.f32.s32 v3;
	vm4 =	vlt.s32 v1, $0x63  }
0x6b: {  	vm5 =	vlt.s32 v2, $0x63;
	v1 =	vnsel vm4, $0x63, v1  }
0x6c: {  	vm6 =	vlt.s32 v3, $0x63;
	v2 =	vnsel vm5, $0x63, v2;
	v1 =	vmul.u32 $0x64, v1  }
0x6d: {  	v3 =	vnsel vm6, $0x63, v3;
	v2 =	vmul.u32 $0x2710, v2  }
0x6e: {  	v1 =	vadd.s32 v3, v1  }
0x6f: {  	v1 =	vadd.s32 v2, v1  }
0x70: {  	[tilespmem:$0x640] =	vst v1  }
0x71: {  	v1 =	vld.idx.msk [tilespmem:v16+s2+$0x0], $0xffff  }
0x72: {  	v2 =	vld.idx.msk [tilespmem:v17+s2+$0x0], $0xffff  }
0x73: {  	v3 =	vld.idx.msk [tilespmem:v15+s2+$0x0], $0xffff;
	_ =	sdelay $0x2  }
0x74: {  	v1 =	vmax.f32 v1, $0.0e+00  }
0x75: {  	v2 =	vmax.f32 v2, $0.0e+00;
	v1 =	vmul.f32 $1.000000000e+02, v1  }
0x76: {  	v3 =	vmax.f32 v3, $0.0e+00;
	v2 =	vmul.f32 $1.000000000e+02, v2  }
0x77: {  	v3 =	vmul.f32 $1.000000000e+02, v3;
	v1 =	vtrunc.f32 v1  }
0x78: {  	v2 =	vtrunc.f32 v2;
	v1 =	vcvt.f32.s32 v1  }
0x79: {  	v3 =	vtrunc.f32 v3;
	v2 =	vcvt.f32.s32 v2  }
0x7a: {  	v3 =	vcvt.f32.s32 v3;
	vm7 =	vlt.s32 v1, $0x63  }
0x7b: {  	vm8 =	vlt.s32 v2, $0x63;
	v1 =	vnsel vm7, $0x63, v1  }
0x7c: {  	vm9 =	vlt.s32 v3, $0x63;
	v2 =	vnsel vm8, $0x63, v2;
	v1 =	vmul.u32 $0x64, v1  }
0x7d: {  	v3 =	vnsel vm9, $0x63, v3;
	v2 =	vmul.u32 $0x2710, v2  }
0x7e: {  	v1 =	vadd.s32 v3, v1  }
0x7f: {  	v1 =	vadd.s32 v2, v1  }
0x80: {  	[tilespmem:$0x650] =	vst v1  }
0x81: {  	v1 =	vld.idx.msk [tilespmem:v19+s2+$0x0], $0xffff  }
0x82: {  	v2 =	vld.idx.msk [tilespmem:v20+s2+$0x0], $0xffff  }
0x83: {  	v3 =	vld.idx.msk [tilespmem:v18+s2+$0x0], $0xffff;
	_ =	sdelay $0x2  }
0x84: {  	v1 =	vmax.f32 v1, $0.0e+00  }
0x85: {  	v2 =	vmax.f32 v2, $0.0e+00;
	v1 =	vmul.f32 $1.000000000e+02, v1  }
0x86: {  	v3 =	vmax.f32 v3, $0.0e+00;
	v2 =	vmul.f32 $1.000000000e+02, v2  }
0x87: {  	v3 =	vmul.f32 $1.000000000e+02, v3;
	v1 =	vtrunc.f32 v1  }
0x88: {  	v2 =	vtrunc.f32 v2;
	v1 =	vcvt.f32.s32 v1  }
0x89: {  	v3 =	vtrunc.f32 v3;
	v2 =	vcvt.f32.s32 v2  }
0x8a: {  	v3 =	vcvt.f32.s32 v3;
	vm10 =	vlt.s32 v1, $0x63  }
0x8b: {  	vm11 =	vlt.s32 v2, $0x63;
	v1 =	vnsel vm10, $0x63, v1  }
0x8c: {  	vm12 =	vlt.s32 v3, $0x63;
	v2 =	vnsel vm11, $0x63, v2;
	v1 =	vmul.u32 $0x64, v1  }
0x8d: {  	v3 =	vnsel vm12, $0x63, v3;
	v2 =	vmul.u32 $0x2710, v2  }
0x8e: {  	v1 =	vadd.s32 v3, v1  }
0x8f: {  	v1 =	vadd.s32 v2, v1  }
0x90: {  	[tilespmem:$0x660] =	vst v1  }
0x91: {  	v1 =	vld.idx.msk [tilespmem:v22+s2+$0x0], $0xffff  }
0x92: {  	v2 =	vld.idx.msk [tilespmem:v23+s2+$0x0], $0xffff  }
0x93: {  	v3 =	vld.idx.msk [tilespmem:v21+s2+$0x0], $0xffff;
	_ =	sdelay $0x2  }
0x94: {  	v1 =	vmax.f32 v1, $0.0e+00  }
0x95: {  	v2 =	vmax.f32 v2, $0.0e+00;
	v1 =	vmul.f32 $1.000000000e+02, v1  }
0x96: {  	v3 =	vmax.f32 v3, $0.0e+00;
	v2 =	vmul.f32 $1.000000000e+02, v2  }
0x97: {  	v3 =	vmul.f32 $1.000000000e+02, v3;
	v1 =	vtrunc.f32 v1  }
0x98: {  	v2 =	vtrunc.f32 v2;
	v1 =	vcvt.f32.s32 v1  }
0x99: {  	v3 =	vtrunc.f32 v3;
	v2 =	vcvt.f32.s32 v2  }
0x9a: {  	v3 =	vcvt.f32.s32 v3;
	vm13 =	vlt.s32 v1, $0x63  }
0x9b: {  	vm14 =	vlt.s32 v2, $0x63;
	v1 =	vnsel vm13, $0x63, v1  }
0x9c: {  	vm15 =	vlt.s32 v3, $0x63;
	v2 =	vnsel vm14, $0x63, v2;
	v1 =	vmul.u32 $0x64, v1  }
0x9d: {  	v3 =	vnsel vm15, $0x63, v3;
	v2 =	vmul.u32 $0x2710, v2  }
0x9e: {  	v1 =	vadd.s32 v3, v1  }
0x9f: {  	v1 =	vadd.s32 v2, v1  }
0xa0: {  	[tilespmem:$0x670] =	vst v1  }
0xa1: {  	[tilespmem:s13], [sflag:$0x1] =	stream.indirect.gather [hbm4b:s3+s11], $0x10, s12, s11, $0xb8;
	[tilespmem:$0x2800] =	vst v63  }
0xa2: {  	v1 =	vld.idx.msk [tilespmem:v25+s2+$0x0], $0xffff  }
0xa3: {  	v2 =	vld.idx.msk [tilespmem:v26+s2+$0x0], $0xffff  }
0xa4: {  	v3 =	vld.idx.msk [tilespmem:v24+s2+$0x0], $0xffff;
	_ =	sdelay $0x2  }
0xa5: {  	v1 =	vmax.f32 v1, $0.0e+00  }
0xa6: {  	v2 =	vmax.f32 v2, $0.0e+00;
	v1 =	vmul.f32 $1.000000000e+02, v1  }
0xa7: {  	v3 =	vmax.f32 v3, $0.0e+00;
	v2 =	vmul.f32 $1.000000000e+02, v2  }
0xa8: {  	v3 =	vmul.f32 $1.000000000e+02, v3;
	v1 =	vtrunc.f32 v1  }
0xa9: {  	v2 =	vtrunc.f32 v2;
	v1 =	vcvt.f32.s32 v1  }
0xaa: {  	v3 =	vtrunc.f32 v3;
	v2 =	vcvt.f32.s32 v2  }
0xab: {  	v3 =	vcvt.f32.s32 v3;
	vm4 =	vlt.s32 v1, $0x63  }
0xac: {  	vm5 =	vlt.s32 v2, $0x63;
	v1 =	vnsel vm4, $0x63, v1  }
0xad: {  	vm6 =	vlt.s32 v3, $0x63;
	v2 =	vnsel vm5, $0x63, v2;
	v1 =	vmul.u32 $0x64, v1  }
0xae: {  	v3 =	vnsel vm6, $0x63, v3;
	v2 =	vmul.u32 $0x2710, v2  }
0xaf: {  	v1 =	vadd.s32 v3, v1  }
0xb0: {  	v1 =	vadd.s32 v2, v1  }
0xb1: {  	[tilespmem:$0x680] =	vst v1  }
0xb2: {  	v1 =	vld.idx.msk [tilespmem:v28+s2+$0x0], $0xffff  }
0xb3: {  	v2 =	vld.idx.msk [tilespmem:v29+s2+$0x0], $0xffff  }
0xb4: {  	v3 =	vld.idx.msk [tilespmem:v27+s2+$0x0], $0xffff;
	_ =	sdelay $0x2  }
0xb5: {  	v1 =	vmax.f32 v1, $0.0e+00  }
0xb6: {  	v2 =	vmax.f32 v2, $0.0e+00;
	v1 =	vmul.f32 $1.000000000e+02, v1  }
0xb7: {  	v3 =	vmax.f32 v3, $0.0e+00;
	v2 =	vmul.f32 $1.000000000e+02, v2  }
0xb8: {  	v3 =	vmul.f32 $1.000000000e+02, v3;
	v1 =	vtrunc.f32 v1  }
0xb9: {  	v2 =	vtrunc.f32 v2;
	v1 =	vcvt.f32.s32 v1  }
0xba: {  	v3 =	vtrunc.f32 v3;
	v2 =	vcvt.f32.s32 v2  }
0xbb: {  	v3 =	vcvt.f32.s32 v3;
	vm7 =	vlt.s32 v1, $0x63  }
0xbc: {  	vm8 =	vlt.s32 v2, $0x63;
	v1 =	vnsel vm7, $0x63, v1  }
0xbd: {  	vm9 =	vlt.s32 v3, $0x63;
	v2 =	vnsel vm8, $0x63, v2;
	v1 =	vmul.u32 $0x64, v1  }
0xbe: {  	v3 =	vnsel vm9, $0x63, v3;
	v2 =	vmul.u32 $0x2710, v2  }
0xbf: {  	v1 =	vadd.s32 v3, v1  }
0xc0: {  	v1 =	vadd.s32 v2, v1  }
0xc1: {  	[tilespmem:$0x690] =	vst v1  }
0xc2: {  	v1 =	vld.idx.msk [tilespmem:v31+s2+$0x0], $0xffff  }
0xc3: {  	v2 =	vld.idx.msk [tilespmem:v32+s2+$0x0], $0xffff  }
0xc4: {  	v3 =	vld.idx.msk [tilespmem:v30+s2+$0x0], $0xffff;
	_ =	sdelay $0x2  }
0xc5: {  	v1 =	vmax.f32 v1, $0.0e+00  }
0xc6: {  	v2 =	vmax.f32 v2, $0.0e+00;
	v1 =	vmul.f32 $1.000000000e+02, v1  }
0xc7: {  	v3 =	vmax.f32 v3, $0.0e+00;
	v2 =	vmul.f32 $1.000000000e+02, v2  }
0xc8: {  	v3 =	vmul.f32 $1.000000000e+02, v3;
	v1 =	vtrunc.f32 v1  }
0xc9: {  	v2 =	vtrunc.f32 v2;
	v1 =	vcvt.f32.s32 v1  }
0xca: {  	v3 =	vtrunc.f32 v3;
	v2 =	vcvt.f32.s32 v2  }
0xcb: {  	v3 =	vcvt.f32.s32 v3;
	vm10 =	vlt.s32 v1, $0x63  }
0xcc: {  	vm11 =	vlt.s32 v2, $0x63;
	v1 =	vnsel vm10, $0x63, v1  }
0xcd: {  	vm12 =	vlt.s32 v3, $0x63;
	v2 =	vnsel vm11, $0x63, v2;
	v1 =	vmul.u32 $0x64, v1  }
0xce: {  	v3 =	vnsel vm12, $0x63, v3;
	v2 =	vmul.u32 $0x2710, v2  }
0xcf: {  	v1 =	vadd.s32 v3, v1  }
0xd0: {  	v1 =	vadd.s32 v2, v1  }
0xd1: {  	[tilespmem:$0x6A0] =	vst v1  }
0xd2: {  	v1 =	vld.idx.msk [tilespmem:v34+s2+$0x0], $0xffff  }
0xd3: {  	v2 =	vld.idx.msk [tilespmem:v35+s2+$0x0], $0xffff  }
0xd4: {  	v3 =	vld.idx.msk [tilespmem:v33+s2+$0x0], $0xffff;
	_ =	sdelay $0x2  }
0xd5: {  	v1 =	vmax.f32 v1, $0.0e+00  }
0xd6: {  	v2 =	vmax.f32 v2, $0.0e+00;
	v1 =	vmul.f32 $1.000000000e+02, v1  }
0xd7: {  	v3 =	vmax.f32 v3, $0.0e+00;
	v2 =	vmul.f32 $1.000000000e+02, v2  }
0xd8: {  	v3 =	vmul.f32 $1.000000000e+02, v3;
	v1 =	vtrunc.f32 v1  }
0xd9: {  	v2 =	vtrunc.f32 v2;
	v1 =	vcvt.f32.s32 v1  }
0xda: {  	v3 =	vtrunc.f32 v3;
	v2 =	vcvt.f32.s32 v2  }
0xdb: {  	v3 =	vcvt.f32.s32 v3;
	vm13 =	vlt.s32 v1, $0x63  }
0xdc: {  	vm14 =	vlt.s32 v2, $0x63;
	v1 =	vnsel vm13, $0x63, v1  }
0xdd: {  	vm15 =	vlt.s32 v3, $0x63;
	v2 =	vnsel vm14, $0x63, v2;
	v1 =	vmul.u32 $0x64, v1  }
0xde: {  	v3 =	vnsel vm15, $0x63, v3;
	v2 =	vmul.u32 $0x2710, v2  }
0xdf: {  	v1 =	vadd.s32 v3, v1  }
0xe0: {  	v1 =	vadd.s32 v2, v1  }
0xe1: {  	[tilespmem:$0x6B0] =	vst v1  }
0xe2: {  	v1 =	vld.idx.msk [tilespmem:v37+s2+$0x0], $0xffff  }
0xe3: {  	v2 =	vld.idx.msk [tilespmem:v38+s2+$0x0], $0xffff  }
0xe4: {  	v3 =	vld.idx.msk [tilespmem:v36+s2+$0x0], $0xffff;
	_ =	sdelay $0x2  }
0xe5: {  	v1 =	vmax.f32 v1, $0.0e+00  }
0xe6: {  	v2 =	vmax.f32 v2, $0.0e+00;
	v1 =	vmul.f32 $1.000000000e+02, v1  }
0xe7: {  	v3 =	vmax.f32 v3, $0.0e+00;
	v2 =	vmul.f32 $1.000000000e+02, v2  }
0xe8: {  	v3 =	vmul.f32 $1.000000000e+02, v3;
	v1 =	vtrunc.f32 v1  }
0xe9: {  	v2 =	vtrunc.f32 v2;
	v1 =	vcvt.f32.s32 v1  }
0xea: {  	v3 =	vtrunc.f32 v3;
	v2 =	vcvt.f32.s32 v2  }
0xeb: {  	v3 =	vcvt.f32.s32 v3;
	vm4 =	vlt.s32 v1, $0x63  }
0xec: {  	vm5 =	vlt.s32 v2, $0x63;
	v1 =	vnsel vm4, $0x63, v1  }
0xed: {  	vm6 =	vlt.s32 v3, $0x63;
	v2 =	vnsel vm5, $0x63, v2;
	v1 =	vmul.u32 $0x64, v1  }
0xee: {  	v3 =	vnsel vm6, $0x63, v3;
	v2 =	vmul.u32 $0x2710, v2  }
0xef: {  	v1 =	vadd.s32 v3, v1  }
0xf0: {  	v1 =	vadd.s32 v2, v1  }
0xf1: {  	[tilespmem:$0x6C0] =	vst v1  }
0xf2: {  	v1 =	vld.idx.msk [tilespmem:v40+s2+$0x0], $0xffff  }
0xf3: {  	v2 =	vld.idx.msk [tilespmem:v41+s2+$0x0], $0xffff  }
0xf4: {  	v3 =	vld.idx.msk [tilespmem:v39+s2+$0x0], $0xffff;
	_ =	sdelay $0x2  }
0xf5: {  	v1 =	vmax.f32 v1, $0.0e+00  }
0xf6: {  	v2 =	vmax.f32 v2, $0.0e+00;
	v1 =	vmul.f32 $1.000000000e+02, v1  }
0xf7: {  	v3 =	vmax.f32 v3, $0.0e+00;
	v2 =	vmul.f32 $1.000000000e+02, v2  }
0xf8: {  	v3 =	vmul.f32 $1.000000000e+02, v3;
	v1 =	vtrunc.f32 v1  }
0xf9: {  	v2 =	vtrunc.f32 v2;
	v1 =	vcvt.f32.s32 v1  }
0xfa: {  	v3 =	vtrunc.f32 v3;
	v2 =	vcvt.f32.s32 v2  }
0xfb: {  	v3 =	vcvt.f32.s32 v3;
	vm7 =	vlt.s32 v1, $0x63  }
0xfc: {  	vm8 =	vlt.s32 v2, $0x63;
	v1 =	vnsel vm7, $0x63, v1  }
0xfd: {  	vm9 =	vlt.s32 v3, $0x63;
	v2 =	vnsel vm8, $0x63, v2;
	v1 =	vmul.u32 $0x64, v1  }
0xfe: {  	v3 =	vnsel vm9, $0x63, v3;
	v2 =	vmul.u32 $0x2710, v2  }
0xff: {  	v1 =	vadd.s32 v3, v1  }
0x100: {  	v1 =	vadd.s32 v2, v1  }
0x101: {  	[tilespmem:$0x6D0] =	vst v1  }
0x102: {  	v1 =	vld.idx.msk [tilespmem:v43+s2+$0x0], $0xffff  }
0x103: {  	v2 =	vld.idx.msk [tilespmem:v44+s2+$0x0], $0xffff  }
0x104: {  	v3 =	vld.idx.msk [tilespmem:v42+s2+$0x0], $0xffff;
	_ =	sdelay $0x2  }
0x105: {  	v1 =	vmax.f32 v1, $0.0e+00  }
0x106: {  	v2 =	vmax.f32 v2, $0.0e+00;
	v1 =	vmul.f32 $1.000000000e+02, v1  }
0x107: {  	v3 =	vmax.f32 v3, $0.0e+00;
	v2 =	vmul.f32 $1.000000000e+02, v2  }
0x108: {  	v3 =	vmul.f32 $1.000000000e+02, v3;
	v1 =	vtrunc.f32 v1  }
0x109: {  	v2 =	vtrunc.f32 v2;
	v1 =	vcvt.f32.s32 v1  }
0x10a: {  	v3 =	vtrunc.f32 v3;
	v2 =	vcvt.f32.s32 v2  }
0x10b: {  	v3 =	vcvt.f32.s32 v3;
	vm10 =	vlt.s32 v1, $0x63  }
0x10c: {  	vm11 =	vlt.s32 v2, $0x63;
	v1 =	vnsel vm10, $0x63, v1  }
0x10d: {  	vm12 =	vlt.s32 v3, $0x63;
	v2 =	vnsel vm11, $0x63, v2;
	v1 =	vmul.u32 $0x64, v1  }
0x10e: {  	v3 =	vnsel vm12, $0x63, v3;
	v2 =	vmul.u32 $0x2710, v2  }
0x10f: {  	v1 =	vadd.s32 v3, v1  }
0x110: {  	v1 =	vadd.s32 v2, v1  }
0x111: {  	[tilespmem:$0x6E0] =	vst v1  }
0x112: {  	v1 =	vld.idx.msk [tilespmem:v46+s2+$0x0], $0xffff  }
0x113: {  	v2 =	vld.idx.msk [tilespmem:v47+s2+$0x0], $0xffff  }
0x114: {  	v3 =	vld.idx.msk [tilespmem:v45+s2+$0x0], $0xffff;
	_ =	sdelay $0x2  }
0x115: {  	v1 =	vmax.f32 v1, $0.0e+00  }
0x116: {  	v2 =	vmax.f32 v2, $0.0e+00;
	v1 =	vmul.f32 $1.000000000e+02, v1  }
0x117: {  	v3 =	vmax.f32 v3, $0.0e+00;
	v2 =	vmul.f32 $1.000000000e+02, v2  }
0x118: {  	v3 =	vmul.f32 $1.000000000e+02, v3;
	v1 =	vtrunc.f32 v1  }
0x119: {  	v2 =	vtrunc.f32 v2;
	v1 =	vcvt.f32.s32 v1  }
0x11a: {  	v3 =	vtrunc.f32 v3;
	v2 =	vcvt.f32.s32 v2  }
0x11b: {  	v3 =	vcvt.f32.s32 v3;
	vm13 =	vlt.s32 v1, $0x63  }
0x11c: {  	vm14 =	vlt.s32 v2, $0x63;
	v1 =	vnsel vm13, $0x63, v1  }
0x11d: {  	vm15 =	vlt.s32 v3, $0x63;
	v2 =	vnsel vm14, $0x63, v2;
	v1 =	vmul.u32 $0x64, v1  }
0x11e: {  	v3 =	vnsel vm15, $0x63, v3;
	v2 =	vmul.u32 $0x2710, v2  }
0x11f: {  	v1 =	vadd.s32 v3, v1  }
0x120: {  	v1 =	vadd.s32 v2, v1  }
0x121: {  	[tilespmem:$0x6F0] =	vst v1  }
0x122: {  	[tilespmem:s15], [sflag:$0x1] =	stream.indirect.gather [hbm4b:s3+s11], $0x10, s14, s11, $0xb8;
	[tilespmem:$0x2800] =	vst v63  }
0x123: {  	v1 =	vld.idx.msk [tilespmem:v49+s2+$0x0], $0xffff  }
0x124: {  	v2 =	vld.idx.msk [tilespmem:v50+s2+$0x0], $0xffff  }
0x125: {  	v3 =	vld.idx.msk [tilespmem:v48+s2+$0x0], $0xffff;
	_ =	sdelay $0x2  }
0x126: {  	v1 =	vmax.f32 v1, $0.0e+00  }
0x127: {  	v2 =	vmax.f32 v2, $0.0e+00;
	v1 =	vmul.f32 $1.000000000e+02, v1  }
0x128: {  	v3 =	vmax.f32 v3, $0.0e+00;
	v2 =	vmul.f32 $1.000000000e+02, v2  }
0x129: {  	v3 =	vmul.f32 $1.000000000e+02, v3;
	v1 =	vtrunc.f32 v1  }
0x12a: {  	v2 =	vtrunc.f32 v2;
	v1 =	vcvt.f32.s32 v1  }
0x12b: {  	v3 =	vtrunc.f32 v3;
	v2 =	vcvt.f32.s32 v2  }
0x12c: {  	v3 =	vcvt.f32.s32 v3;
	vm4 =	vlt.s32 v1, $0x63  }
0x12d: {  	vm5 =	vlt.s32 v2, $0x63;
	v1 =	vnsel vm4, $0x63, v1  }
0x12e: {  	vm6 =	vlt.s32 v3, $0x63;
	v2 =	vnsel vm5, $0x63, v2;
	v1 =	vmul.u32 $0x64, v1  }
0x12f: {  	v3 =	vnsel vm6, $0x63, v3;
	v2 =	vmul.u32 $0x2710, v2  }
0x130: {  	v1 =	vadd.s32 v3, v1  }
0x131: {  	v1 =	vadd.s32 v2, v1  }
0x132: {  	[tilespmem:$0x700] =	vst v1  }
0x133: {  	v1 =	vld.idx.msk [tilespmem:v52+s2+$0x0], $0xffff  }
0x134: {  	v2 =	vld.idx.msk [tilespmem:v53+s2+$0x0], $0xffff  }
0x135: {  	v3 =	vld.idx.msk [tilespmem:v51+s2+$0x0], $0xffff;
	_ =	sdelay $0x2  }
0x136: {  	v1 =	vmax.f32 v1, $0.0e+00  }
0x137: {  	v2 =	vmax.f32 v2, $0.0e+00;
	v1 =	vmul.f32 $1.000000000e+02, v1  }
0x138: {  	v3 =	vmax.f32 v3, $0.0e+00;
	v2 =	vmul.f32 $1.000000000e+02, v2  }
0x139: {  	v3 =	vmul.f32 $1.000000000e+02, v3;
	v1 =	vtrunc.f32 v1  }
0x13a: {  	v2 =	vtrunc.f32 v2;
	v1 =	vcvt.f32.s32 v1  }
0x13b: {  	v3 =	vtrunc.f32 v3;
	v2 =	vcvt.f32.s32 v2  }
0x13c: {  	v3 =	vcvt.f32.s32 v3;
	vm7 =	vlt.s32 v1, $0x63  }
0x13d: {  	vm8 =	vlt.s32 v2, $0x63;
	v1 =	vnsel vm7, $0x63, v1  }
0x13e: {  	vm9 =	vlt.s32 v3, $0x63;
	v2 =	vnsel vm8, $0x63, v2;
	v1 =	vmul.u32 $0x64, v1  }
0x13f: {  	v3 =	vnsel vm9, $0x63, v3;
	v2 =	vmul.u32 $0x2710, v2  }
0x140: {  	v1 =	vadd.s32 v3, v1  }
0x141: {  	v1 =	vadd.s32 v2, v1  }
0x142: {  	[tilespmem:$0x710] =	vst v1  }
0x143: {  	v1 =	vld.idx.msk [tilespmem:v55+s2+$0x0], $0xffff  }
0x144: {  	v2 =	vld.idx.msk [tilespmem:v56+s2+$0x0], $0xffff  }
0x145: {  	v3 =	vld.idx.msk [tilespmem:v54+s2+$0x0], $0xffff;
	_ =	sdelay $0x2  }
0x146: {  	v1 =	vmax.f32 v1, $0.0e+00  }
0x147: {  	v2 =	vmax.f32 v2, $0.0e+00;
	v1 =	vmul.f32 $1.000000000e+02, v1  }
0x148: {  	v3 =	vmax.f32 v3, $0.0e+00;
	v2 =	vmul.f32 $1.000000000e+02, v2  }
0x149: {  	v3 =	vmul.f32 $1.000000000e+02, v3;
	v1 =	vtrunc.f32 v1  }
0x14a: {  	v2 =	vtrunc.f32 v2;
	v1 =	vcvt.f32.s32 v1  }
0x14b: {  	v3 =	vtrunc.f32 v3;
	v2 =	vcvt.f32.s32 v2  }
0x14c: {  	v3 =	vcvt.f32.s32 v3;
	vm10 =	vlt.s32 v1, $0x63  }
0x14d: {  	vm11 =	vlt.s32 v2, $0x63;
	v1 =	vnsel vm10, $0x63, v1  }
0x14e: {  	vm12 =	vlt.s32 v3, $0x63;
	v2 =	vnsel vm11, $0x63, v2;
	v1 =	vmul.u32 $0x64, v1  }
0x14f: {  	v3 =	vnsel vm12, $0x63, v3;
	v2 =	vmul.u32 $0x2710, v2  }
0x150: {  	v1 =	vadd.s32 v3, v1  }
0x151: {  	v1 =	vadd.s32 v2, v1  }
0x152: {  	[tilespmem:$0x720] =	vst v1  }
0x153: {  	v1 =	vld.idx.msk [tilespmem:v58+s2+$0x0], $0xffff  }
0x154: {  	v2 =	vld.idx.msk [tilespmem:v59+s2+$0x0], $0xffff  }
0x155: {  	v3 =	vld.idx.msk [tilespmem:v57+s2+$0x0], $0xffff;
	_ =	sdelay $0x2  }
0x156: {  	v1 =	vmax.f32 v1, $0.0e+00  }
0x157: {  	v2 =	vmax.f32 v2, $0.0e+00;
	v1 =	vmul.f32 $1.000000000e+02, v1  }
0x158: {  	v3 =	vmax.f32 v3, $0.0e+00;
	v2 =	vmul.f32 $1.000000000e+02, v2  }
0x159: {  	v3 =	vmul.f32 $1.000000000e+02, v3;
	v1 =	vtrunc.f32 v1  }
0x15a: {  	v2 =	vtrunc.f32 v2;
	v1 =	vcvt.f32.s32 v1  }
0x15b: {  	v3 =	vtrunc.f32 v3;
	v2 =	vcvt.f32.s32 v2  }
0x15c: {  	v3 =	vcvt.f32.s32 v3;
	vm13 =	vlt.s32 v1, $0x63  }
0x15d: {  	vm14 =	vlt.s32 v2, $0x63;
	v1 =	vnsel vm13, $0x63, v1  }
0x15e: {  	vm15 =	vlt.s32 v3, $0x63;
	v2 =	vnsel vm14, $0x63, v2;
	v1 =	vmul.u32 $0x64, v1  }
0x15f: {  	v3 =	vnsel vm15, $0x63, v3;
	v2 =	vmul.u32 $0x2710, v2  }
0x160: {  	v1 =	vadd.s32 v3, v1  }
0x161: {  	v1 =	vadd.s32 v2, v1  }
0x162: {  	[tilespmem:$0x730] =	vst v1  }
0x163: {  	v1 =	vld.idx.msk [tilespmem:v61+s2+$0x0], $0xffff  }
0x164: {  	v2 =	vld.idx.msk [tilespmem:v62+s2+$0x0], $0xffff  }
0x165: {  	v3 =	vld.idx.msk [tilespmem:v60+s2+$0x0], $0xffff;
	_ =	sdelay $0x2  }
0x166: {  	v1 =	vmax.f32 v1, $0.0e+00  }
0x167: {  	v2 =	vmax.f32 v2, $0.0e+00;
	v1 =	vmul.f32 $1.000000000e+02, v1  }
0x168: {  	v3 =	vmax.f32 v3, $0.0e+00;
	v2 =	vmul.f32 $1.000000000e+02, v2  }
0x169: {  	v3 =	vmul.f32 $1.000000000e+02, v3;
	v1 =	vtrunc.f32 v1  }
0x16a: {  	v2 =	vtrunc.f32 v2;
	v1 =	vcvt.f32.s32 v1  }
0x16b: {  	v3 =	vtrunc.f32 v3;
	v2 =	vcvt.f32.s32 v2  }
0x16c: {  	v3 =	vcvt.f32.s32 v3;
	vm4 =	vlt.s32 v1, $0x63  }
0x16d: {  	v4 =	vadd.s32 $0x3F1, v0;
	vm5 =	vlt.s32 v2, $0x63;
	v1 =	vnsel vm4, $0x63, v1  }
0x16e: {  	vm6 =	vlt.s32 v3, $0x63;
	v2 =	vnsel vm5, $0x63, v2;
	v1 =	vmul.u32 $0x64, v1  }
0x16f: {  	v3 =	vnsel vm6, $0x63, v3;
	v2 =	vmul.u32 $0x2710, v2  }
0x170: {  	v1 =	vadd.s32 v3, v1;
	v3 =	vadd.s32 $0x3F2, v0  }
0x171: {  	v1 =	vadd.s32 v2, v1  }
0x172: {  	[tilespmem:$0x740] =	vst v1  }
0x173: {  	v2 =	vld.idx.msk [tilespmem:v4+s2+$0x0], $0xffff  }
0x174: {  	v1 =	vld.idx.msk [tilespmem:v63+s2+$0x0], $0xffff  }
0x175: {  	v3 =	vld.idx.msk [tilespmem:v3+s2+$0x0], $0xffff;
	_ =	sdelay $0x2  }
0x176: {  	v2 =	vmax.f32 v2, $0.0e+00  }
0x177: {  	v1 =	vmax.f32 v1, $0.0e+00;
	v2 =	vmul.f32 $1.000000000e+02, v2  }
0x178: {  	v1 =	vmul.f32 $1.000000000e+02, v1;
	v3 =	vmax.f32 v3, $0.0e+00  }
0x179: {  	v3 =	vmul.f32 $1.000000000e+02, v3;
	v2 =	vtrunc.f32 v2  }
0x17a: {  	v2 =	vcvt.f32.s32 v2  }
0x17b: {  	v1 =	vtrunc.f32 v1;
	v3 =	vtrunc.f32 v3  }
0x17c: {  	v1 =	vcvt.f32.s32 v1;
	v3 =	vcvt.f32.s32 v3;
	vm7 =	vlt.s32 v2, $0x63  }
0x17d: {  	v2 =	vnsel vm7, $0x63, v2  }
0x17e: {  	vm8 =	vlt.s32 v1, $0x63;
	vm9 =	vlt.s32 v3, $0x63;
	v2 =	vmul.u32 $0x64, v2  }
0x17f: {  	v5 =	vadd.s32 $0x421, v0;
	v1 =	vnsel vm8, $0x63, v1;
	v3 =	vnsel vm9, $0x63, v3  }
0x180: {  	v3 =	vmul.u32 $0x2710, v3;
	v1 =	vadd.s32 v1, v2;
	v2 =	vadd.s32 $0x422, v0  }
0x181: {  	v4 =	vadd.s32 $0x420, v0  }
0x182: {  	v1 =	vadd.s32 v3, v1  }
0x183: {  	[tilespmem:$0x750] =	vst v1  }
0x184: {  	v3 =	vld.idx.msk [tilespmem:v5+s2+$0x0], $0xffff  }
0x185: {  	v2 =	vld.idx.msk [tilespmem:v2+s2+$0x0], $0xffff  }
0x186: {  	v1 =	vld.idx.msk [tilespmem:v4+s2+$0x0], $0xffff;
	_ =	sdelay $0x2  }
0x187: {  	v3 =	vmax.f32 v3, $0.0e+00  }
0x188: {  	v3 =	vmul.f32 $1.000000000e+02, v3;
	v2 =	vmax.f32 v2, $0.0e+00  }
0x189: {  	v1 =	vmax.f32 v1, $0.0e+00;
	v2 =	vmul.f32 $1.000000000e+02, v2  }
0x18a: {  	v1 =	vmul.f32 $1.000000000e+02, v1;
	v3 =	vtrunc.f32 v3  }
0x18b: {  	v3 =	vcvt.f32.s32 v3;
	v2 =	vtrunc.f32 v2  }
0x18c: {  	v1 =	vtrunc.f32 v1;
	v2 =	vcvt.f32.s32 v2  }
0x18d: {  	v1 =	vcvt.f32.s32 v1;
	vm10 =	vlt.s32 v3, $0x63  }
0x18e: {  	v4 =	vadd.s32 $0x451, v0;
	v3 =	vnsel vm10, $0x63, v3;
	vm12 =	vlt.s32 v2, $0x63  }
0x18f: {  	vm11 =	vlt.s32 v1, $0x63;
	v2 =	vnsel vm12, $0x63, v2;
	v3 =	vmul.u32 $0x64, v3  }
0x190: {  	v5 =	vadd.s32 $0x452, v0;
	v1 =	vnsel vm11, $0x63, v1;
	v2 =	vmul.u32 $0x2710, v2  }
0x191: {  	v1 =	vadd.s32 v1, v3;
	v3 =	vadd.s32 $0x450, v0  }
0x192: {  	v1 =	vadd.s32 v2, v1  }
0x193: {  	[tilespmem:$0x760] =	vst v1  }
0x194: {  	v1 =	vld.idx.msk [tilespmem:v4+s2+$0x0], $0xffff  }
0x195: {  	v2 =	vld.idx.msk [tilespmem:v5+s2+$0x0], $0xffff  }
0x196: {  	v3 =	vld.idx.msk [tilespmem:v3+s2+$0x0], $0xffff;
	_ =	sdelay $0x2  }
0x197: {  	v1 =	vmax.f32 v1, $0.0e+00  }
0x198: {  	v2 =	vmax.f32 v2, $0.0e+00;
	v1 =	vmul.f32 $1.000000000e+02, v1  }
0x199: {  	v2 =	vmul.f32 $1.000000000e+02, v2;
	v3 =	vmax.f32 v3, $0.0e+00  }
0x19a: {  	v3 =	vmul.f32 $1.000000000e+02, v3;
	v1 =	vtrunc.f32 v1  }
0x19b: {  	v1 =	vcvt.f32.s32 v1  }
0x19c: {  	v2 =	vtrunc.f32 v2;
	v3 =	vtrunc.f32 v3  }
0x19d: {  	v2 =	vcvt.f32.s32 v2;
	v3 =	vcvt.f32.s32 v3;
	vm13 =	vlt.s32 v1, $0x63  }
0x19e: {  	v1 =	vnsel vm13, $0x63, v1  }
0x19f: {  	vm14 =	vlt.s32 v2, $0x63;
	vm15 =	vlt.s32 v3, $0x63;
	v1 =	vmul.u32 $0x64, v1  }
0x1a0: {  	v2 =	vnsel vm14, $0x63, v2;
	v3 =	vnsel vm15, $0x63, v3  }
0x1a1: {  	v2 =	vmul.u32 $0x2710, v2;
	v1 =	vadd.s32 v3, v1;
	v3 =	vadd.s32 $0x481, v0  }
0x1a2: {  	v4 =	vor.u32 $0x480, v0  }
0x1a3: {  	v1 =	vadd.s32 v2, v1;
	v2 =	vadd.s32 $0x482, v0  }
0x1a4: {  	[tilespmem:$0x770] =	vst v1  }
0x1a5: {  	[tilespmem:s17], [sflag:$0x1] =	stream.indirect.gather [hbm4b:s3+s11], $0x10, s16, s11, $0xb8;
	[tilespmem:$0x2800] =	vst v63  }
0x1a6: {  	v3 =	vld.idx.msk [tilespmem:v3+s2+$0x0], $0xffff  }
0x1a7: {  	v1 =	vld.idx.msk [tilespmem:v4+s2+$0x0], $0xffff  }
0x1a8: {  	v2 =	vld.idx.msk [tilespmem:v2+s2+$0x0], $0xffff;
	_ =	sdelay $0x2  }
0x1a9: {  	v3 =	vmax.f32 v3, $0.0e+00  }
0x1aa: {  	v1 =	vmax.f32 v1, $0.0e+00;
	v3 =	vmul.f32 $1.000000000e+02, v3  }
0x1ab: {  	v1 =	vmul.f32 $1.000000000e+02, v1;
	v2 =	vmax.f32 v2, $0.0e+00  }
0x1ac: {  	v2 =	vmul.f32 $1.000000000e+02, v2;
	v3 =	vtrunc.f32 v3  }
0x1ad: {  	v3 =	vcvt.f32.s32 v3  }
0x1ae: {  	v1 =	vtrunc.f32 v1;
	v2 =	vtrunc.f32 v2  }
0x1af: {  	v1 =	vcvt.f32.s32 v1;
	v2 =	vcvt.f32.s32 v2;
	vm4 =	vlt.s32 v3, $0x63  }
0x1b0: {  	v3 =	vnsel vm4, $0x63, v3  }
0x1b1: {  	vm5 =	vlt.s32 v1, $0x63;
	vm6 =	vlt.s32 v2, $0x63;
	v3 =	vmul.u32 $0x64, v3  }
0x1b2: {  	v5 =	vadd.s32 $0x4B1, v0;
	v1 =	vnsel vm5, $0x63, v1;
	v2 =	vnsel vm6, $0x63, v2  }
0x1b3: {  	v2 =	vmul.u32 $0x2710, v2;
	v1 =	vadd.s32 v1, v3;
	v3 =	vadd.s32 $0x4B2, v0  }
0x1b4: {  	v4 =	vadd.s32 $0x4B0, v0  }
0x1b5: {  	v1 =	vadd.s32 v2, v1  }
0x1b6: {  	[tilespmem:$0x780] =	vst v1  }
0x1b7: {  	v2 =	vld.idx.msk [tilespmem:v5+s2+$0x0], $0xffff  }
0x1b8: {  	v3 =	vld.idx.msk [tilespmem:v3+s2+$0x0], $0xffff  }
0x1b9: {  	v1 =	vld.idx.msk [tilespmem:v4+s2+$0x0], $0xffff;
	_ =	sdelay $0x2  }
0x1ba: {  	v2 =	vmax.f32 v2, $0.0e+00  }
0x1bb: {  	v2 =	vmul.f32 $1.000000000e+02, v2;
	v3 =	vmax.f32 v3, $0.0e+00  }
0x1bc: {  	v1 =	vmax.f32 v1, $0.0e+00;
	v3 =	vmul.f32 $1.000000000e+02, v3  }
0x1bd: {  	v1 =	vmul.f32 $1.000000000e+02, v1;
	v2 =	vtrunc.f32 v2  }
0x1be: {  	v2 =	vcvt.f32.s32 v2;
	v3 =	vtrunc.f32 v3  }
0x1bf: {  	v1 =	vtrunc.f32 v1;
	v3 =	vcvt.f32.s32 v3  }
0x1c0: {  	v1 =	vcvt.f32.s32 v1;
	vm7 =	vlt.s32 v2, $0x63  }
0x1c1: {  	v5 =	vadd.s32 $0x4E1, v0;
	v2 =	vnsel vm7, $0x63, v2;
	vm9 =	vlt.s32 v3, $0x63  }
0x1c2: {  	vm8 =	vlt.s32 v1, $0x63;
	v2 =	vmul.u32 $0x64, v2;
	v3 =	vnsel vm9, $0x63, v3  }
0x1c3: {  	v4 =	vadd.s32 $0x4E0, v0;
	v1 =	vnsel vm8, $0x63, v1;
	v3 =	vmul.u32 $0x2710, v3  }
0x1c4: {  	v1 =	vadd.s32 v1, v2;
	v2 =	vadd.s32 $0x4E2, v0  }
0x1c5: {  	v1 =	vadd.s32 v3, v1  }
0x1c6: {  	[tilespmem:$0x790] =	vst v1  }
0x1c7: {  	v3 =	vld.idx.msk [tilespmem:v5+s2+$0x0], $0xffff  }
0x1c8: {  	v1 =	vld.idx.msk [tilespmem:v4+s2+$0x0], $0xffff  }
0x1c9: {  	v2 =	vld.idx.msk [tilespmem:v2+s2+$0x0], $0xffff;
	_ =	sdelay $0x2  }
0x1ca: {  	v3 =	vmax.f32 v3, $0.0e+00  }
0x1cb: {  	v1 =	vmax.f32 v1, $0.0e+00;
	v3 =	vmul.f32 $1.000000000e+02, v3  }
0x1cc: {  	v1 =	vmul.f32 $1.000000000e+02, v1;
	v2 =	vmax.f32 v2, $0.0e+00  }
0x1cd: {  	v2 =	vmul.f32 $1.000000000e+02, v2;
	v3 =	vtrunc.f32 v3  }
0x1ce: {  	v3 =	vcvt.f32.s32 v3  }
0x1cf: {  	v1 =	vtrunc.f32 v1;
	v2 =	vtrunc.f32 v2  }
0x1d0: {  	v1 =	vcvt.f32.s32 v1;
	v2 =	vcvt.f32.s32 v2;
	vm10 =	vlt.s32 v3, $0x63  }
0x1d1: {  	v3 =	vnsel vm10, $0x63, v3  }
0x1d2: {  	vm11 =	vlt.s32 v1, $0x63;
	vm12 =	vlt.s32 v2, $0x63;
	v3 =	vmul.u32 $0x64, v3  }
0x1d3: {  	v5 =	vadd.s32 $0x511, v0;
	v1 =	vnsel vm11, $0x63, v1;
	v2 =	vnsel vm12, $0x63, v2  }
0x1d4: {  	v2 =	vmul.u32 $0x2710, v2;
	v1 =	vadd.s32 v1, v3;
	v3 =	vadd.s32 $0x512, v0  }
0x1d5: {  	v4 =	vadd.s32 $0x510, v0  }
0x1d6: {  	v1 =	vadd.s32 v2, v1  }
0x1d7: {  	[tilespmem:$0x7A0] =	vst v1  }
0x1d8: {  	v2 =	vld.idx.msk [tilespmem:v5+s2+$0x0], $0xffff  }
0x1d9: {  	v3 =	vld.idx.msk [tilespmem:v3+s2+$0x0], $0xffff  }
0x1da: {  	v1 =	vld.idx.msk [tilespmem:v4+s2+$0x0], $0xffff;
	_ =	sdelay $0x2  }
0x1db: {  	v2 =	vmax.f32 v2, $0.0e+00  }
0x1dc: {  	v2 =	vmul.f32 $1.000000000e+02, v2;
	v3 =	vmax.f32 v3, $0.0e+00  }
0x1dd: {  	v1 =	vmax.f32 v1, $0.0e+00;
	v3 =	vmul.f32 $1.000000000e+02, v3  }
0x1de: {  	v1 =	vmul.f32 $1.000000000e+02, v1;
	v2 =	vtrunc.f32 v2  }
0x1df: {  	v2 =	vcvt.f32.s32 v2;
	v3 =	vtrunc.f32 v3  }
0x1e0: {  	v1 =	vtrunc.f32 v1;
	v3 =	vcvt.f32.s32 v3  }
0x1e1: {  	v1 =	vcvt.f32.s32 v1;
	vm13 =	vlt.s32 v2, $0x63  }
0x1e2: {  	v5 =	vadd.s32 $0x541, v0;
	v2 =	vnsel vm13, $0x63, v2;
	vm15 =	vlt.s32 v3, $0x63  }
0x1e3: {  	vm14 =	vlt.s32 v1, $0x63;
	v2 =	vmul.u32 $0x64, v2;
	v3 =	vnsel vm15, $0x63, v3  }
0x1e4: {  	v4 =	vor.u32 $0x540, v0;
	v1 =	vnsel vm14, $0x63, v1;
	v3 =	vmul.u32 $0x2710, v3  }
0x1e5: {  	v1 =	vadd.s32 v1, v2;
	v2 =	vadd.s32 $0x542, v0  }
0x1e6: {  	v1 =	vadd.s32 v3, v1  }
0x1e7: {  	[tilespmem:$0x7B0] =	vst v1  }
0x1e8: {  	v3 =	vld.idx.msk [tilespmem:v5+s2+$0x0], $0xffff  }
0x1e9: {  	v1 =	vld.idx.msk [tilespmem:v4+s2+$0x0], $0xffff  }
0x1ea: {  	v2 =	vld.idx.msk [tilespmem:v2+s2+$0x0], $0xffff;
	_ =	sdelay $0x2  }
0x1eb: {  	v3 =	vmax.f32 v3, $0.0e+00  }
0x1ec: {  	v1 =	vmax.f32 v1, $0.0e+00;
	v3 =	vmul.f32 $1.000000000e+02, v3  }
0x1ed: {  	v1 =	vmul.f32 $1.000000000e+02, v1;
	v2 =	vmax.f32 v2, $0.0e+00  }
0x1ee: {  	v2 =	vmul.f32 $1.000000000e+02, v2;
	v3 =	vtrunc.f32 v3  }
0x1ef: {  	v3 =	vcvt.f32.s32 v3  }
0x1f0: {  	v1 =	vtrunc.f32 v1;
	v2 =	vtrunc.f32 v2  }
0x1f1: {  	v1 =	vcvt.f32.s32 v1;
	v2 =	vcvt.f32.s32 v2;
	vm4 =	vlt.s32 v3, $0x63  }
0x1f2: {  	v3 =	vnsel vm4, $0x63, v3  }
0x1f3: {  	vm5 =	vlt.s32 v1, $0x63;
	vm6 =	vlt.s32 v2, $0x63;
	v3 =	vmul.u32 $0x64, v3  }
0x1f4: {  	v5 =	vadd.s32 $0x571, v0;
	v1 =	vnsel vm5, $0x63, v1;
	v2 =	vnsel vm6, $0x63, v2  }
0x1f5: {  	v2 =	vmul.u32 $0x2710, v2;
	v1 =	vadd.s32 v1, v3;
	v3 =	vadd.s32 $0x572, v0  }
0x1f6: {  	v4 =	vadd.s32 $0x570, v0  }
0x1f7: {  	v1 =	vadd.s32 v2, v1  }
0x1f8: {  	[tilespmem:$0x7C0] =	vst v1  }
0x1f9: {  	v2 =	vld.idx.msk [tilespmem:v5+s2+$0x0], $0xffff  }
0x1fa: {  	v3 =	vld.idx.msk [tilespmem:v3+s2+$0x0], $0xffff  }
0x1fb: {  	v1 =	vld.idx.msk [tilespmem:v4+s2+$0x0], $0xffff;
	_ =	sdelay $0x2  }
0x1fc: {  	v2 =	vmax.f32 v2, $0.0e+00  }
0x1fd: {  	v2 =	vmul.f32 $1.000000000e+02, v2;
	v3 =	vmax.f32 v3, $0.0e+00  }
0x1fe: {  	v1 =	vmax.f32 v1, $0.0e+00;
	v3 =	vmul.f32 $1.000000000e+02, v3  }
0x1ff: {  	v1 =	vmul.f32 $1.000000000e+02, v1;
	v2 =	vtrunc.f32 v2  }
0x200: {  	v2 =	vcvt.f32.s32 v2;
	v3 =	vtrunc.f32 v3  }
0x201: {  	v1 =	vtrunc.f32 v1;
	v3 =	vcvt.f32.s32 v3  }
0x202: {  	v1 =	vcvt.f32.s32 v1;
	vm7 =	vlt.s32 v2, $0x63  }
0x203: {  	v4 =	vadd.s32 $0x5A1, v0;
	v2 =	vnsel vm7, $0x63, v2;
	vm9 =	vlt.s32 v3, $0x63  }
0x204: {  	vm8 =	vlt.s32 v1, $0x63;
	v2 =	vmul.u32 $0x64, v2;
	v3 =	vnsel vm9, $0x63, v3  }
0x205: {  	v5 =	vadd.s32 $0x5A2, v0;
	v1 =	vnsel vm8, $0x63, v1;
	v3 =	vmul.u32 $0x2710, v3  }
0x206: {  	v1 =	vadd.s32 v1, v2;
	v2 =	vadd.s32 $0x5A0, v0  }
0x207: {  	v1 =	vadd.s32 v3, v1  }
0x208: {  	[tilespmem:$0x7D0] =	vst v1  }
0x209: {  	v1 =	vld.idx.msk [tilespmem:v4+s2+$0x0], $0xffff  }
0x20a: {  	v3 =	vld.idx.msk [tilespmem:v5+s2+$0x0], $0xffff  }
0x20b: {  	v2 =	vld.idx.msk [tilespmem:v2+s2+$0x0], $0xffff;
	_ =	sdelay $0x2  }
0x20c: {  	v1 =	vmax.f32 v1, $0.0e+00  }
0x20d: {  	v3 =	vmax.f32 v3, $0.0e+00;
	v1 =	vmul.f32 $1.000000000e+02, v1  }
0x20e: {  	v2 =	vmax.f32 v2, $0.0e+00;
	v3 =	vmul.f32 $1.000000000e+02, v3  }
0x20f: {  	v2 =	vmul.f32 $1.000000000e+02, v2;
	v1 =	vtrunc.f32 v1  }
0x210: {  	v3 =	vtrunc.f32 v3;
	v1 =	vcvt.f32.s32 v1  }
0x211: {  	v3 =	vcvt.f32.s32 v3;
	v2 =	vtrunc.f32 v2  }
0x212: {  	v2 =	vcvt.f32.s32 v2;
	vm10 =	vlt.s32 v1, $0x63  }
0x213: {  	v4 =	vadd.s32 $0x5D1, v0;
	vm11 =	vlt.s32 v3, $0x63;
	v1 =	vnsel vm10, $0x63, v1  }
0x214: {  	v3 =	vnsel vm11, $0x63, v3;
	vm12 =	vlt.s32 v2, $0x63;
	v1 =	vmul.u32 $0x64, v1  }
0x215: {  	v5 =	vadd.s32 $0x5D2, v0;
	v2 =	vnsel vm12, $0x63, v2;
	v3 =	vmul.u32 $0x2710, v3  }
0x216: {  	v1 =	vadd.s32 v2, v1;
	v2 =	vadd.s32 $0x5D0, v0  }
0x217: {  	v1 =	vadd.s32 v3, v1  }
0x218: {  	[tilespmem:$0x7E0] =	vst v1  }
0x219: {  	v1 =	vld.idx.msk [tilespmem:v4+s2+$0x0], $0xffff  }
0x21a: {  	v3 =	vld.idx.msk [tilespmem:v5+s2+$0x0], $0xffff  }
0x21b: {  	v2 =	vld.idx.msk [tilespmem:v2+s2+$0x0], $0xffff;
	_ =	sdelay $0x2  }
0x21c: {  	v1 =	vmax.f32 v1, $0.0e+00  }
0x21d: {  	v3 =	vmax.f32 v3, $0.0e+00;
	v1 =	vmul.f32 $1.000000000e+02, v1  }
0x21e: {  	v3 =	vmul.f32 $1.000000000e+02, v3;
	v2 =	vmax.f32 v2, $0.0e+00  }
0x21f: {  	v2 =	vmul.f32 $1.000000000e+02, v2;
	v1 =	vtrunc.f32 v1  }
0x220: {  	v3 =	vtrunc.f32 v3;
	v1 =	vcvt.f32.s32 v1  }
0x221: {  	v3 =	vcvt.f32.s32 v3;
	v2 =	vtrunc.f32 v2  }
0x222: {  	v2 =	vcvt.f32.s32 v2;
	vm13 =	vlt.s32 v1, $0x63  }
0x223: {  	vm14 =	vlt.s32 v3, $0x63;
	v1 =	vnsel vm13, $0x63, v1  }
0x224: {  	v3 =	vnsel vm14, $0x63, v3;
	vm15 =	vlt.s32 v2, $0x63;
	v1 =	vmul.u32 $0x64, v1  }
0x225: {  	v3 =	vmul.u32 $0x2710, v3;
	v2 =	vnsel vm15, $0x63, v2  }
0x226: {  	v1 =	vadd.s32 v2, v1  }
0x227: {  	v1 =	vadd.s32 v3, v1  }
0x228: {  	[tilespmem:$0x7F0] =	vst v1  }
0x229: {  	[tilespmem:s19], [sflag:$0x1] =	stream.indirect.gather [hbm4b:s3+s11], $0x10, s18, s11, $0xb8;
	[tilespmem:$0x2800] =	vst v63  }
0x22a: {  	_ =	swait.ge [sflag:s20], $0x800  }
0x22b: {  	[sflag:s20] =	ssyncset.done $0x0  }
0x22c: {  	[sflag:s20] =	ssyncadd.s32 $0xFFFFF800  }
0x22d: {  	[hbm4b:s5+s2] =	stream.linear.scatter [tilespmem:s13], [sflag:$0x2], $0x800, $0x38;
	[tilespmem:$0x2800] =	vst v63  }
0x22e: {  	_ =	swait.ge [sflag:s10], $0x800  }
0x22f: {  	[sflag:s10] =	ssyncset.done $0x0  }
0x230: {  	[sflag:s10] =	ssyncadd.s32 $0xFFFFF800  }
0x231: {  	_ =	swait.ge [sflag:s20], $0x800  }
0x232: {  	[sflag:s20] =	ssyncset.done $0x0  }
0x233: {  	[sflag:s20] =	ssyncadd.s32 $0xFFFFF800  }
0x234: {  	[hbm4b:s6+s2] =	stream.linear.scatter [tilespmem:s15], [sflag:$0x2], $0x800, $0x38;
	[tilespmem:$0x2800] =	vst v63  }
0x235: {  	_ =	swait.ge [sflag:s10], $0x800  }
0x236: {  	[sflag:s10] =	ssyncset.done $0x0  }
0x237: {  	[sflag:s10] =	ssyncadd.s32 $0xFFFFF800  }
0x238: {  	_ =	swait.ge [sflag:s20], $0x800  }
0x239: {  	[sflag:s20] =	ssyncset.done $0x0  }
0x23a: {  	[sflag:s20] =	ssyncadd.s32 $0xFFFFF800  }
0x23b: {  	[hbm4b:s7+s2] =	stream.linear.scatter [tilespmem:s17], [sflag:$0x2], $0x800, $0x38;
	[tilespmem:$0x2800] =	vst v63  }
0x23c: {  	_ =	swait.ge [sflag:s10], $0x800  }
0x23d: {  	[sflag:s10] =	ssyncset.done $0x0  }
0x23e: {  	[sflag:s10] =	ssyncadd.s32 $0xFFFFF800  }
0x23f: {  	_ =	swait.ge [sflag:s20], $0x800  }
0x240: {  	p0 =	sne.s32 s9, $0x1;
	[sflag:s20] =	ssyncset.done $0x0  }
.Ltmp0:
0x241: {  	[sflag:s20] =	ssyncadd.s32 $0xFFFFF800;
	(pc) =	sbr.rel @p0 .LBB2_1-.Ltmp0, $4  }
0x242: {  	[hbm4b:s8+s2] =	stream.linear.scatter [tilespmem:s19], [sflag:$0x2], $0x800, $0x38;
	[tilespmem:$0x2800] =	vst v63  }
0x243: {  	_ =	swait.ge [sflag:s10], $0x800  }
0x244: {  	[sflag:s10] =	ssyncset.done $0x0  }
0x245: {  	s9 =	sadd.s32 $0xFFFFFFFF, s9;
	[sflag:s10] =	ssyncadd.s32 $0xFFFFF800  }
0x246: {  	_ =	sfence.sel $0x180000  }
0x247: {  	[bflag:$0x0] =	sbarrier.arrive $0xFFFF  }
0x248: {  	p0 =	sne.s32 s0, $0x0;
	_ =	strace $0x90000047  }
0x249: {  	s0 =	sadd.s32 @!p0 $0x100000, s1;
	[bflag:$0x2] =	sbarrier.arrive $0xFFFF  }
0x24a: {  	[sflag:s0] =	ssyncadd.tile.s32 @!p0 $0x1;
	_ =	shalt  }
.Lfunc_end2:
_tile_overlayer_lowered:
.L_overlay_start_2:
0x24b: {  	(tag) =	ssettag $0x2  }
0x24c: {  	s0 =	rddreg [dreg:$0x0];
	s2 =	stileid.u32  }
0x24d: {  	s1 =	rddreg [dreg:$0x1];
	p0 =	sne.s32 s2, $0x0  }
0x24e: {  	s3 =	rddreg [dreg:$0x2];
	[bflag:$0x3] =	sbarrier.arrive $0xFFFF;
	s2 =	simm.s32 @!p0 $0x1C02  }
0x24f: {  	[timem:s3], [sflag:s2] =	dma.local @!p0 [hbm:s0], s1  }
0x250: {  	s0 =	simm.s32 @!p0 $0x2  }
0x251: {  	_ =	swait.ge @!p0 [sflag:s0], s1  }
0x252: {  	s1 =	ssub.s32 @!p0 $0x0, s1;
	[sflag:s0] =	ssyncset.done @!p0 $0x0  }
0x253: {  	[sflag:s0] =	ssyncadd.s32 @!p0 s1  }
0x254: {  	[bflag:$0x3] =	sbarrier.arrive $0xFFFF  }
0x255: {  	_ =	shalt  }

</sc_bundles>
